<compile_context>
chip_gen: v7x
topology: tpu7x:2x2x1
jax: 0.10.2.dev20260603
libtpu: 0.0.44.dev20260713+nightly
codegen_flags: <defaults>
</compile_context>

<pallas_src>
import functools

import jax
import jax.numpy as jnp
from jax import lax
from jax.experimental import pallas as pl
from jax.experimental.pallas import tpu as pltpu
from jax.experimental.pallas import tpu_sc as plsc

_LANES = 16
_NBUF = 4


@functools.lru_cache(maxsize=None)
def _build(B, L, D, V):
    info = plsc.get_sparse_core_info()
    NC, NS = info.num_cores, info.num_subcores
    NW = NC * NS
    assert B % (NW * _NBUF) == 0 and L % 2 == 0 and D % _LANES == 0
    n_seq = B // NW
    half = L // 2

    mesh = plsc.VectorSubcoreMesh(core_axis_name="c", subcore_axis_name="s")

    @functools.partial(
        pl.kernel,
        out_type=jax.ShapeDtypeStruct((B * L, D), jnp.float32),
        mesh=mesh,
        scratch_types=[
            [pltpu.VMEM((2, half), jnp.int32)] * _NBUF,
            pltpu.VMEM_SHARED((L, D), jnp.float32),
            [pltpu.VMEM((L, D), jnp.float32)] * _NBUF,
            [pltpu.SemaphoreType.DMA] * _NBUF,
            [pltpu.SemaphoreType.DMA] * _NBUF,
            [pltpu.SemaphoreType.DMA] * _NBUF,
            [pltpu.SemaphoreType.DMA] * _NBUF,
        ],
    )
    def emb(idx_hbm, pe_hbm, table_hbm, out_hbm, idxs, pe_sh, bufs, isems,
            psems, gsems, ssems):
        wid = lax.axis_index("s") * NC + lax.axis_index("c")
        seq0 = wid * n_seq

        @pl.when(lax.axis_index("s") == 0)
        def _stage_pe():
            pltpu.sync_copy(pe_hbm, pe_sh)

        plsc.subcore_barrier()

        def stage(it, b):
            pltpu.async_copy(pe_sh, bufs[b], psems[b])
            pltpu.async_copy(idx_hbm.at[pl.ds(2 * (seq0 + it), 2)], idxs[b],
                             isems[b])

        def gather_add(b):
            pltpu.make_async_copy(
                idx_hbm.at[pl.ds(0, 2)], idxs[b], isems[b]).wait()
            pltpu.make_async_copy(pe_sh, bufs[b], psems[b]).wait()
            for h in range(2):
                pltpu.async_copy(
                    table_hbm.at[idxs[b].at[h]],
                    bufs[b].at[pl.ds(h * half, half)], gsems[b], add=True)

        def wait_gathers(b):
            for h in range(2):
                pltpu.make_async_copy(
                    table_hbm.at[idxs[b].at[h]],
                    bufs[b].at[pl.ds(h * half, half)], gsems[b]).wait()

        def wait_scatter(b):
            pltpu.make_async_copy(
                bufs[b], out_hbm.at[pl.ds(0, L)], ssems[b]).wait()

        stage(0, 0)
        stage(1, 1)
        gather_add(0)

        def quad_body(j, carry):
            for p in range(_NBUF):
                it = _NBUF * j + p
                b1 = (p + 1) % _NBUF
                b2 = (p + 2) % _NBUF

                @pl.when(it + 1 < n_seq)
                def _launch():
                    gather_add(b1)

                @pl.when(it + 2 < n_seq)
                def _prefetch():
                    @pl.when(it + 2 >= _NBUF)
                    def _retire():
                        wait_scatter(b2)
                    stage(it + 2, b2)

                wait_gathers(p)
                pltpu.async_copy(
                    bufs[p], out_hbm.at[pl.ds((seq0 + it) * L, L)], ssems[p])
            return carry

        lax.fori_loop(0, n_seq // _NBUF, quad_body, 0)
        for p in range(_NBUF):
            wait_scatter(p)

    return emb


def kernel(x, table, pe):
    B, L = x.shape
    V, D = table.shape
    idx = x.reshape(-1, L // 2).astype(jnp.int32)
    pe2 = pe[0, :L, :].astype(jnp.float32)
    out = _build(B, L, D, V)(idx, pe2, table)
    return out.reshape(B, L, D)

# --- scband reference (transcript-rebuilt; emitter-appended) ---
"""Pipeline reference for scband-remi-embedding-17970143167200 (READ-ONLY COPY).

The authoritative reference and input builder live on the scoring server;
editing this copy changes nothing except your own understanding.
"""

import jax, jax.numpy as jnp
import numpy as np
import math

N_VOCAB = 100000
D_MODEL = 128
MAX_LEN = 20000
BATCH = 4096
SEQ = 200


def make_pe(d_model, max_len):
    position = np.arange(0, max_len, dtype=np.float32)[:, None]
    div_term = np.exp(np.arange(0, d_model, 2, dtype=np.float32) * (-math.log(10000.0) / d_model))
    pe = np.zeros((max_len, d_model), dtype=np.float32)
    pe[:, 0::2] = np.sin(position * div_term)
    pe[:, 1::2] = np.cos(position * div_term)
    return jnp.asarray(pe)[None, :, :]  # [1, max_len, d_model]


def setup_inputs(seed: int = 0) -> dict:
    key = jax.random.key(seed)
    k_idx, k_tab = jax.random.split(key)
    x = jax.random.randint(k_idx, (BATCH, SEQ), 0, N_VOCAB, dtype=jnp.int64)
    table = jax.random.normal(k_tab, (N_VOCAB, D_MODEL), dtype=jnp.float32)
    pe = make_pe(D_MODEL, MAX_LEN)
    return {"x": x, "table": table, "pe": pe}


def reference(x, table, pe):
    # nn.Embedding lookup -> gather
    h = jnp.take(table, x, axis=0)  # [B, L, d_model]
    # RelativePositionalEncoding: pe[:, :L, :] broadcast-added over batch
    h = h + pe[:, : x.shape[1], :]
    # dropout p=0.0 -> identity
    return h

if __name__ == "__main__":
    import jax
    _d = setup_inputs()
    print(jax.jit(kernel)(*tuple(_d.values())))

</pallas_src>

<mosaic_0001>
#map = affine_map<(d0, d1) -> (0, 0)>
module attributes {stable_mosaic.version = 14 : i64} {
  func.func @emb(%arg0: i32, %arg1: i32, %arg2: memref<8192x100xi32, #tpu.memory_space<hbm>>, %arg3: memref<200x128xf32, #tpu.memory_space<hbm>>, %arg4: memref<100000x128xf32, #tpu.memory_space<hbm>>, %arg5: memref<819200x128xf32, #tpu.memory_space<hbm>>, %arg6: memref<2x100xi32, #tpu.memory_space<vmem>>, %arg7: memref<2x100xi32, #tpu.memory_space<vmem>>, %arg8: memref<2x100xi32, #tpu.memory_space<vmem>>, %arg9: memref<2x100xi32, #tpu.memory_space<vmem>>, %arg10: memref<200x128xf32, #tpu.memory_space<vmem_shared>>, %arg11: memref<200x128xf32, #tpu.memory_space<vmem>>, %arg12: memref<200x128xf32, #tpu.memory_space<vmem>>, %arg13: memref<200x128xf32, #tpu.memory_space<vmem>>, %arg14: memref<200x128xf32, #tpu.memory_space<vmem>>, %arg15: memref<!tpu.dma_semaphore, #tpu.memory_space<semaphore_mem>>, %arg16: memref<!tpu.dma_semaphore, #tpu.memory_space<semaphore_mem>>, %arg17: memref<!tpu.dma_semaphore, #tpu.memory_space<semaphore_mem>>, %arg18: memref<!tpu.dma_semaphore, #tpu.memory_space<semaphore_mem>>, %arg19: memref<!tpu.dma_semaphore, #tpu.memory_space<semaphore_mem>>, %arg20: memref<!tpu.dma_semaphore, #tpu.memory_space<semaphore_mem>>, %arg21: memref<!tpu.dma_semaphore, #tpu.memory_space<semaphore_mem>>, %arg22: memref<!tpu.dma_semaphore, #tpu.memory_space<semaphore_mem>>, %arg23: memref<!tpu.dma_semaphore, #tpu.memory_space<semaphore_mem>>, %arg24: memref<!tpu.dma_semaphore, #tpu.memory_space<semaphore_mem>>, %arg25: memref<!tpu.dma_semaphore, #tpu.memory_space<semaphore_mem>>, %arg26: memref<!tpu.dma_semaphore, #tpu.memory_space<semaphore_mem>>, %arg27: memref<!tpu.dma_semaphore, #tpu.memory_space<semaphore_mem>>, %arg28: memref<!tpu.dma_semaphore, #tpu.memory_space<semaphore_mem>>, %arg29: memref<!tpu.dma_semaphore, #tpu.memory_space<semaphore_mem>>, %arg30: memref<!tpu.dma_semaphore, #tpu.memory_space<semaphore_mem>>) attributes {dimension_semantics = [#tpu.dimension_semantics<core_parallel>, #tpu.dimension_semantics<subcore_parallel>], iteration_bounds = array<i64: 2, 16>, scalar_prefetch = 0 : i64, scratch_operands = 25 : i64, tpu.core_type = #tpu.core_type<sc_vector_subcore>, window_params = [{transform_indices = #map}, {transform_indices = #map}, {transform_indices = #map}, {transform_indices = #map}]} {
    %mul3A = arith.constant 2 : i32
    %mul3A_0 = arith.muli %arg1, %mul3A : i32
    %add3A = arith.addi %mul3A_0, %arg0 : i32
    %mul3A_1 = arith.constant 128 : i32
    %mul3A_2 = arith.muli %add3A, %mul3A_1 : i32
    %eq3A = arith.constant 0 : i32
    %eq3A_3 = arith.cmpi eq, %arg1, %eq3A : i32
    %convert_element_type3A = arith.extui %eq3A_3 : i1 to i32
    %cond3A = arith.constant 0 : i32
    %cond3A_4 = arith.cmpi ne, %convert_element_type3A, %cond3A : i32
    scf.if %cond3A_4 {
      "tpu.region"() ({
        %run_scoped3A = tpu.sem_alloc : memref<!tpu.dma_semaphore, #tpu.memory_space<semaphore_mem>>
        tpu.enqueue_dma source(%arg3 : memref<200x128xf32, #tpu.memory_space<hbm>>) target(%arg10 : memref<200x128xf32, #tpu.memory_space<vmem_shared>>) target_semaphore(%run_scoped3A : memref<!tpu.dma_semaphore, #tpu.memory_space<semaphore_mem>>)
        tpu.wait_dma2 semaphore(%run_scoped3A : memref<!tpu.dma_semaphore, #tpu.memory_space<semaphore_mem>>) src(%arg3 : memref<200x128xf32, #tpu.memory_space<hbm>>) dst(%arg10 : memref<200x128xf32, #tpu.memory_space<vmem_shared>>)
        tpu.yield
      }) : () -> ()
    } else {
    }
    %barrier3A = arith.constant 0 : index
    tpu.barrier barrier_id(%barrier3A)
    tpu.enqueue_dma source(%arg10 : memref<200x128xf32, #tpu.memory_space<vmem_shared>>) target(%arg11 : memref<200x128xf32, #tpu.memory_space<vmem>>) target_semaphore(%arg19 : memref<!tpu.dma_semaphore, #tpu.memory_space<semaphore_mem>>)
    %add3A_5 = arith.constant 0 : i32
    %add3A_6 = arith.addi %mul3A_2, %add3A_5 : i32
    %mul3A_7 = arith.constant 2 : i32
    %mul3A_8 = arith.muli %mul3A_7, %add3A_6 : i32
    %dma_start3A = arith.constant 0 : i32
    %dma_start3A_9 = tpu.memref_slice %arg2[%mul3A_8, %dma_start3A] : memref<8192x100xi32, #tpu.memory_space<hbm>> -> memref<2x100xi32, #tpu.memory_space<hbm>>
    %dma_start3A_10 = arith.constant 0 : i32
    %dma_start3A_11 = tpu.memref_slice %arg2[%mul3A_8, %dma_start3A_10] : memref<8192x100xi32, #tpu.memory_space<hbm>> -> memref<2x100xi32, #tpu.memory_space<hbm>>
    tpu.enqueue_dma source(%dma_start3A_11 : memref<2x100xi32, #tpu.memory_space<hbm>>) target(%arg6 : memref<2x100xi32, #tpu.memory_space<vmem>>) target_semaphore(%arg15 : memref<!tpu.dma_semaphore, #tpu.memory_space<semaphore_mem>>)
    tpu.enqueue_dma source(%arg10 : memref<200x128xf32, #tpu.memory_space<vmem_shared>>) target(%arg12 : memref<200x128xf32, #tpu.memory_space<vmem>>) target_semaphore(%arg20 : memref<!tpu.dma_semaphore, #tpu.memory_space<semaphore_mem>>)
    %add3A_12 = arith.constant 1 : i32
    %add3A_13 = arith.addi %mul3A_2, %add3A_12 : i32
    %mul3A_14 = arith.constant 2 : i32
    %mul3A_15 = arith.muli %mul3A_14, %add3A_13 : i32
    %dma_start3A_16 = arith.constant 0 : i32
    %dma_start3A_17 = tpu.memref_slice %arg2[%mul3A_15, %dma_start3A_16] : memref<8192x100xi32, #tpu.memory_space<hbm>> -> memref<2x100xi32, #tpu.memory_space<hbm>>
    %dma_start3A_18 = arith.constant 0 : i32
    %dma_start3A_19 = tpu.memref_slice %arg2[%mul3A_15, %dma_start3A_18] : memref<8192x100xi32, #tpu.memory_space<hbm>> -> memref<2x100xi32, #tpu.memory_space<hbm>>
    tpu.enqueue_dma source(%dma_start3A_19 : memref<2x100xi32, #tpu.memory_space<hbm>>) target(%arg7 : memref<2x100xi32, #tpu.memory_space<vmem>>) target_semaphore(%arg16 : memref<!tpu.dma_semaphore, #tpu.memory_space<semaphore_mem>>)
    %dma_wait3A = arith.constant 0 : i32
    %dma_wait3A_20 = arith.constant 0 : i32
    %dma_wait3A_21 = tpu.memref_slice %arg2[%dma_wait3A, %dma_wait3A_20] : memref<8192x100xi32, #tpu.memory_space<hbm>> -> memref<2x100xi32, #tpu.memory_space<hbm>>
    %dma_wait3A_22 = arith.constant 0 : i32
    %dma_wait3A_23 = arith.constant 0 : i32
    %dma_wait3A_24 = tpu.memref_slice %arg2[%dma_wait3A_22, %dma_wait3A_23] : memref<8192x100xi32, #tpu.memory_space<hbm>> -> memref<2x100xi32, #tpu.memory_space<hbm>>
    tpu.wait_dma2 semaphore(%arg15 : memref<!tpu.dma_semaphore, #tpu.memory_space<semaphore_mem>>) src(%dma_wait3A_24 : memref<2x100xi32, #tpu.memory_space<hbm>>) dst(%arg6 : memref<2x100xi32, #tpu.memory_space<vmem>>)
    tpu.wait_dma2 semaphore(%arg19 : memref<!tpu.dma_semaphore, #tpu.memory_space<semaphore_mem>>) src(%arg10 : memref<200x128xf32, #tpu.memory_space<vmem_shared>>) dst(%arg11 : memref<200x128xf32, #tpu.memory_space<vmem>>)
    %dma_start3A_25 = arith.constant 0 : i32
    %dma_start3A_26 = arith.constant 0 : i32
    %dma_start3A_27 = arith.constant 0 : i32
    %dma_start3A_28 = tpu.memref_slice %arg11[%dma_start3A_26, %dma_start3A_27] : memref<200x128xf32, #tpu.memory_space<vmem>> -> memref<100x128xf32, #tpu.memory_space<vmem>>
    %dma_start3A_29 = arith.constant 0 : i32
    %dma_start3A_30 = tpu.memref_slice %arg6[%dma_start3A_25, %dma_start3A_29] : memref<2x100xi32, #tpu.memory_space<vmem>> -> memref<1x100xi32, #tpu.memory_space<vmem>>
    %dma_start3A_31 = tpu.memref_squeeze %dma_start3A_30 : memref<1x100xi32, #tpu.memory_space<vmem>> -> memref<100xi32, #tpu.memory_space<vmem>>
    %dma_start3A_32 = arith.constant 0 : i32
    %dma_start3A_33 = arith.constant 0 : i32
    %dma_start3A_34 = tpu.memref_slice %arg4[%dma_start3A_32, %dma_start3A_33] : memref<100000x128xf32, #tpu.memory_space<hbm>> -> memref<100000x128xf32, #tpu.memory_space<hbm>>
    tpu.enqueue_indirect_dma source(%dma_start3A_34 : memref<100000x128xf32, #tpu.memory_space<hbm>>) target(%dma_start3A_28 : memref<100x128xf32, #tpu.memory_space<vmem>>) offsets(%dma_start3A_31 : memref<100xi32, #tpu.memory_space<vmem>>) semaphore(%arg23 : memref<!tpu.dma_semaphore, #tpu.memory_space<semaphore_mem>>) {add = true}
    %dma_start3A_35 = arith.constant 1 : i32
    %dma_start3A_36 = arith.constant 100 : i32
    %dma_start3A_37 = arith.constant 0 : i32
    %dma_start3A_38 = tpu.memref_slice %arg11[%dma_start3A_36, %dma_start3A_37] : memref<200x128xf32, #tpu.memory_space<vmem>> -> memref<100x128xf32, #tpu.memory_space<vmem>>
    %dma_start3A_39 = arith.constant 0 : i32
    %dma_start3A_40 = tpu.memref_slice %arg6[%dma_start3A_35, %dma_start3A_39] : memref<2x100xi32, #tpu.memory_space<vmem>> -> memref<1x100xi32, #tpu.memory_space<vmem>>
    %dma_start3A_41 = tpu.memref_squeeze %dma_start3A_40 : memref<1x100xi32, #tpu.memory_space<vmem>> -> memref<100xi32, #tpu.memory_space<vmem>>
    %dma_start3A_42 = arith.constant 0 : i32
    %dma_start3A_43 = arith.constant 0 : i32
    %dma_start3A_44 = tpu.memref_slice %arg4[%dma_start3A_42, %dma_start3A_43] : memref<100000x128xf32, #tpu.memory_space<hbm>> -> memref<100000x128xf32, #tpu.memory_space<hbm>>
    tpu.enqueue_indirect_dma source(%dma_start3A_44 : memref<100000x128xf32, #tpu.memory_space<hbm>>) target(%dma_start3A_38 : memref<100x128xf32, #tpu.memory_space<vmem>>) offsets(%dma_start3A_41 : memref<100xi32, #tpu.memory_space<vmem>>) semaphore(%arg23 : memref<!tpu.dma_semaphore, #tpu.memory_space<semaphore_mem>>) {add = true}
    %scan3A = arith.constant 0 : i32
    %scan3A_45 = arith.constant 0 : i32
    %scan3A_46 = arith.constant 32 : i32
    %scan3A_47 = arith.addi %scan3A_45, %scan3A_46 : i32
    %scan3A_48 = arith.constant 1 : i32
    scf.for %scan3A_74 = %scan3A_45 to %scan3A_47 step %scan3A_48  : i32 {
      %mul3A_75 = arith.constant 4 : i32
      %mul3A_76 = arith.muli %mul3A_75, %scan3A_74 : i32
      %add3A_77 = arith.constant 0 : i32
      %add3A_78 = arith.addi %mul3A_76, %add3A_77 : i32
      %add3A_79 = arith.constant 1 : i32
      %add3A_80 = arith.addi %add3A_78, %add3A_79 : i32
      %lt3A = arith.constant 128 : i32
      %lt3A_81 = arith.cmpi slt, %add3A_80, %lt3A : i32
      %convert_element_type3A_82 = arith.extui %lt3A_81 : i1 to i32
      %cond3A_83 = arith.constant 0 : i32
      %cond3A_84 = arith.cmpi ne, %convert_element_type3A_82, %cond3A_83 : i32
      scf.if %cond3A_84 {
        %dma_wait3A_254 = arith.constant 0 : i32
        %dma_wait3A_255 = arith.constant 0 : i32
        %dma_wait3A_256 = tpu.memref_slice %arg2[%dma_wait3A_254, %dma_wait3A_255] : memref<8192x100xi32, #tpu.memory_space<hbm>> -> memref<2x100xi32, #tpu.memory_space<hbm>>
        %dma_wait3A_257 = arith.constant 0 : i32
        %dma_wait3A_258 = arith.constant 0 : i32
        %dma_wait3A_259 = tpu.memref_slice %arg2[%dma_wait3A_257, %dma_wait3A_258] : memref<8192x100xi32, #tpu.memory_space<hbm>> -> memref<2x100xi32, #tpu.memory_space<hbm>>
        tpu.wait_dma2 semaphore(%arg16 : memref<!tpu.dma_semaphore, #tpu.memory_space<semaphore_mem>>) src(%dma_wait3A_259 : memref<2x100xi32, #tpu.memory_space<hbm>>) dst(%arg7 : memref<2x100xi32, #tpu.memory_space<vmem>>)
        tpu.wait_dma2 semaphore(%arg20 : memref<!tpu.dma_semaphore, #tpu.memory_space<semaphore_mem>>) src(%arg10 : memref<200x128xf32, #tpu.memory_space<vmem_shared>>) dst(%arg12 : memref<200x128xf32, #tpu.memory_space<vmem>>)
        %dma_start3A_260 = arith.constant 0 : i32
        %dma_start3A_261 = arith.constant 0 : i32
        %dma_start3A_262 = arith.constant 0 : i32
        %dma_start3A_263 = tpu.memref_slice %arg12[%dma_start3A_261, %dma_start3A_262] : memref<200x128xf32, #tpu.memory_space<vmem>> -> memref<100x128xf32, #tpu.memory_space<vmem>>
        %dma_start3A_264 = arith.constant 0 : i32
        %dma_start3A_265 = tpu.memref_slice %arg7[%dma_start3A_260, %dma_start3A_264] : memref<2x100xi32, #tpu.memory_space<vmem>> -> memref<1x100xi32, #tpu.memory_space<vmem>>
        %dma_start3A_266 = tpu.memref_squeeze %dma_start3A_265 : memref<1x100xi32, #tpu.memory_space<vmem>> -> memref<100xi32, #tpu.memory_space<vmem>>
        %dma_start3A_267 = arith.constant 0 : i32
        %dma_start3A_268 = arith.constant 0 : i32
        %dma_start3A_269 = tpu.memref_slice %arg4[%dma_start3A_267, %dma_start3A_268] : memref<100000x128xf32, #tpu.memory_space<hbm>> -> memref<100000x128xf32, #tpu.memory_space<hbm>>
        tpu.enqueue_indirect_dma source(%dma_start3A_269 : memref<100000x128xf32, #tpu.memory_space<hbm>>) target(%dma_start3A_263 : memref<100x128xf32, #tpu.memory_space<vmem>>) offsets(%dma_start3A_266 : memref<100xi32, #tpu.memory_space<vmem>>) semaphore(%arg24 : memref<!tpu.dma_semaphore, #tpu.memory_space<semaphore_mem>>) {add = true}
        %dma_start3A_270 = arith.constant 1 : i32
        %dma_start3A_271 = arith.constant 100 : i32
        %dma_start3A_272 = arith.constant 0 : i32
        %dma_start3A_273 = tpu.memref_slice %arg12[%dma_start3A_271, %dma_start3A_272] : memref<200x128xf32, #tpu.memory_space<vmem>> -> memref<100x128xf32, #tpu.memory_space<vmem>>
        %dma_start3A_274 = arith.constant 0 : i32
        %dma_start3A_275 = tpu.memref_slice %arg7[%dma_start3A_270, %dma_start3A_274] : memref<2x100xi32, #tpu.memory_space<vmem>> -> memref<1x100xi32, #tpu.memory_space<vmem>>
        %dma_start3A_276 = tpu.memref_squeeze %dma_start3A_275 : memref<1x100xi32, #tpu.memory_space<vmem>> -> memref<100xi32, #tpu.memory_space<vmem>>
        %dma_start3A_277 = arith.constant 0 : i32
        %dma_start3A_278 = arith.constant 0 : i32
        %dma_start3A_279 = tpu.memref_slice %arg4[%dma_start3A_277, %dma_start3A_278] : memref<100000x128xf32, #tpu.memory_space<hbm>> -> memref<100000x128xf32, #tpu.memory_space<hbm>>
        tpu.enqueue_indirect_dma source(%dma_start3A_279 : memref<100000x128xf32, #tpu.memory_space<hbm>>) target(%dma_start3A_273 : memref<100x128xf32, #tpu.memory_space<vmem>>) offsets(%dma_start3A_276 : memref<100xi32, #tpu.memory_space<vmem>>) semaphore(%arg24 : memref<!tpu.dma_semaphore, #tpu.memory_space<semaphore_mem>>) {add = true}
      } else {
      }
      %add3A_85 = arith.constant 2 : i32
      %add3A_86 = arith.addi %add3A_78, %add3A_85 : i32
      %lt3A_87 = arith.constant 128 : i32
      %lt3A_88 = arith.cmpi slt, %add3A_86, %lt3A_87 : i32
      %convert_element_type3A_89 = arith.extui %lt3A_88 : i1 to i32
      %cond3A_90 = arith.constant 0 : i32
      %cond3A_91 = arith.cmpi ne, %convert_element_type3A_89, %cond3A_90 : i32
      scf.if %cond3A_91 {
        %add3A_254 = arith.constant 2 : i32
        %add3A_255 = arith.addi %add3A_78, %add3A_254 : i32
        %ge3A = arith.constant 4 : i32
        %ge3A_256 = arith.cmpi sge, %add3A_255, %ge3A : i32
        %convert_element_type3A_257 = arith.extui %ge3A_256 : i1 to i32
        %cond3A_258 = arith.constant 0 : i32
        %cond3A_259 = arith.cmpi ne, %convert_element_type3A_257, %cond3A_258 : i32
        scf.if %cond3A_259 {
          %dma_wait3A_269 = arith.constant 0 : i32
          %dma_wait3A_270 = arith.constant 0 : i32
          %dma_wait3A_271 = tpu.memref_slice %arg5[%dma_wait3A_269, %dma_wait3A_270] : memref<819200x128xf32, #tpu.memory_space<hbm>> -> memref<200x128xf32, #tpu.memory_space<hbm>>
          %dma_wait3A_272 = arith.constant 0 : i32
          %dma_wait3A_273 = arith.constant 0 : i32
          %dma_wait3A_274 = tpu.memref_slice %arg5[%dma_wait3A_272, %dma_wait3A_273] : memref<819200x128xf32, #tpu.memory_space<hbm>> -> memref<200x128xf32, #tpu.memory_space<hbm>>
          tpu.wait_dma2 semaphore(%arg29 : memref<!tpu.dma_semaphore, #tpu.memory_space<semaphore_mem>>) src(%arg13 : memref<200x128xf32, #tpu.memory_space<vmem>>) dst(%dma_wait3A_274 : memref<200x128xf32, #tpu.memory_space<hbm>>)
        } else {
        }
        %add3A_260 = arith.constant 2 : i32
        %add3A_261 = arith.addi %add3A_78, %add3A_260 : i32
        tpu.enqueue_dma source(%arg10 : memref<200x128xf32, #tpu.memory_space<vmem_shared>>) target(%arg13 : memref<200x128xf32, #tpu.memory_space<vmem>>) target_semaphore(%arg21 : memref<!tpu.dma_semaphore, #tpu.memory_space<semaphore_mem>>)
        %add3A_262 = arith.addi %mul3A_2, %add3A_261 : i32
        %mul3A_263 = arith.constant 2 : i32
        %mul3A_264 = arith.muli %mul3A_263, %add3A_262 : i32
        %dma_start3A_265 = arith.constant 0 : i32
        %dma_start3A_266 = tpu.memref_slice %arg2[%mul3A_264, %dma_start3A_265] : memref<8192x100xi32, #tpu.memory_space<hbm>> -> memref<2x100xi32, #tpu.memory_space<hbm>>
        %dma_start3A_267 = arith.constant 0 : i32
        %dma_start3A_268 = tpu.memref_slice %arg2[%mul3A_264, %dma_start3A_267] : memref<8192x100xi32, #tpu.memory_space<hbm>> -> memref<2x100xi32, #tpu.memory_space<hbm>>
        tpu.enqueue_dma source(%dma_start3A_268 : memref<2x100xi32, #tpu.memory_space<hbm>>) target(%arg8 : memref<2x100xi32, #tpu.memory_space<vmem>>) target_semaphore(%arg17 : memref<!tpu.dma_semaphore, #tpu.memory_space<semaphore_mem>>)
      } else {
      }
      %dma_wait3A_92 = arith.constant 0 : i32
      %dma_wait3A_93 = arith.constant 0 : i32
      %dma_wait3A_94 = arith.constant 0 : i32
      %dma_wait3A_95 = tpu.memref_slice %arg11[%dma_wait3A_93, %dma_wait3A_94] : memref<200x128xf32, #tpu.memory_space<vmem>> -> memref<100x128xf32, #tpu.memory_space<vmem>>
      %dma_wait3A_96 = arith.constant 0 : i32
      %dma_wait3A_97 = tpu.memref_slice %arg6[%dma_wait3A_92, %dma_wait3A_96] : memref<2x100xi32, #tpu.memory_space<vmem>> -> memref<1x100xi32, #tpu.memory_space<vmem>>
      %dma_wait3A_98 = tpu.memref_squeeze %dma_wait3A_97 : memref<1x100xi32, #tpu.memory_space<vmem>> -> memref<100xi32, #tpu.memory_space<vmem>>
      %dma_wait3A_99 = arith.constant 0 : i32
      %dma_wait3A_100 = arith.constant 0 : i32
      %dma_wait3A_101 = tpu.memref_slice %arg4[%dma_wait3A_99, %dma_wait3A_100] : memref<100000x128xf32, #tpu.memory_space<hbm>> -> memref<100000x128xf32, #tpu.memory_space<hbm>>
      tpu.wait_indirect_dma semaphore(%arg23 : memref<!tpu.dma_semaphore, #tpu.memory_space<semaphore_mem>>) src(%dma_wait3A_101 : memref<100000x128xf32, #tpu.memory_space<hbm>>) dst(%dma_wait3A_95 : memref<100x128xf32, #tpu.memory_space<vmem>>)
      %dma_wait3A_102 = arith.constant 1 : i32
      %dma_wait3A_103 = arith.constant 100 : i32
      %dma_wait3A_104 = arith.constant 0 : i32
      %dma_wait3A_105 = tpu.memref_slice %arg11[%dma_wait3A_103, %dma_wait3A_104] : memref<200x128xf32, #tpu.memory_space<vmem>> -> memref<100x128xf32, #tpu.memory_space<vmem>>
      %dma_wait3A_106 = arith.constant 0 : i32
      %dma_wait3A_107 = tpu.memref_slice %arg6[%dma_wait3A_102, %dma_wait3A_106] : memref<2x100xi32, #tpu.memory_space<vmem>> -> memref<1x100xi32, #tpu.memory_space<vmem>>
      %dma_wait3A_108 = tpu.memref_squeeze %dma_wait3A_107 : memref<1x100xi32, #tpu.memory_space<vmem>> -> memref<100xi32, #tpu.memory_space<vmem>>
      %dma_wait3A_109 = arith.constant 0 : i32
      %dma_wait3A_110 = arith.constant 0 : i32
      %dma_wait3A_111 = tpu.memref_slice %arg4[%dma_wait3A_109, %dma_wait3A_110] : memref<100000x128xf32, #tpu.memory_space<hbm>> -> memref<100000x128xf32, #tpu.memory_space<hbm>>
      tpu.wait_indirect_dma semaphore(%arg23 : memref<!tpu.dma_semaphore, #tpu.memory_space<semaphore_mem>>) src(%dma_wait3A_111 : memref<100000x128xf32, #tpu.memory_space<hbm>>) dst(%dma_wait3A_105 : memref<100x128xf32, #tpu.memory_space<vmem>>)
      %add3A_112 = arith.addi %mul3A_2, %add3A_78 : i32
      %mul3A_113 = arith.constant 200 : i32
      %mul3A_114 = arith.muli %add3A_112, %mul3A_113 : i32
      %dma_start3A_115 = arith.constant 0 : i32
      %dma_start3A_116 = tpu.memref_slice %arg5[%mul3A_114, %dma_start3A_115] : memref<819200x128xf32, #tpu.memory_space<hbm>> -> memref<200x128xf32, #tpu.memory_space<hbm>>
      %dma_start3A_117 = arith.constant 0 : i32
      %dma_start3A_118 = tpu.memref_slice %arg5[%mul3A_114, %dma_start3A_117] : memref<819200x128xf32, #tpu.memory_space<hbm>> -> memref<200x128xf32, #tpu.memory_space<hbm>>
      tpu.enqueue_dma source(%arg11 : memref<200x128xf32, #tpu.memory_space<vmem>>) target(%dma_start3A_118 : memref<200x128xf32, #tpu.memory_space<hbm>>) target_semaphore(%arg27 : memref<!tpu.dma_semaphore, #tpu.memory_space<semaphore_mem>>)
      %mul3A_119 = arith.constant 4 : i32
      %mul3A_120 = arith.muli %mul3A_119, %scan3A_74 : i32
      %add3A_121 = arith.constant 1 : i32
      %add3A_122 = arith.addi %mul3A_120, %add3A_121 : i32
      %add3A_123 = arith.constant 1 : i32
      %add3A_124 = arith.addi %add3A_122, %add3A_123 : i32
      %lt3A_125 = arith.constant 128 : i32
      %lt3A_126 = arith.cmpi slt, %add3A_124, %lt3A_125 : i32
      %convert_element_type3A_127 = arith.extui %lt3A_126 : i1 to i32
      %cond3A_128 = arith.constant 0 : i32
      %cond3A_129 = arith.cmpi ne, %convert_element_type3A_127, %cond3A_128 : i32
      scf.if %cond3A_129 {
        %dma_wait3A_254 = arith.constant 0 : i32
        %dma_wait3A_255 = arith.constant 0 : i32
        %dma_wait3A_256 = tpu.memref_slice %arg2[%dma_wait3A_254, %dma_wait3A_255] : memref<8192x100xi32, #tpu.memory_space<hbm>> -> memref<2x100xi32, #tpu.memory_space<hbm>>
        %dma_wait3A_257 = arith.constant 0 : i32
        %dma_wait3A_258 = arith.constant 0 : i32
        %dma_wait3A_259 = tpu.memref_slice %arg2[%dma_wait3A_257, %dma_wait3A_258] : memref<8192x100xi32, #tpu.memory_space<hbm>> -> memref<2x100xi32, #tpu.memory_space<hbm>>
        tpu.wait_dma2 semaphore(%arg17 : memref<!tpu.dma_semaphore, #tpu.memory_space<semaphore_mem>>) src(%dma_wait3A_259 : memref<2x100xi32, #tpu.memory_space<hbm>>) dst(%arg8 : memref<2x100xi32, #tpu.memory_space<vmem>>)
        tpu.wait_dma2 semaphore(%arg21 : memref<!tpu.dma_semaphore, #tpu.memory_space<semaphore_mem>>) src(%arg10 : memref<200x128xf32, #tpu.memory_space<vmem_shared>>) dst(%arg13 : memref<200x128xf32, #tpu.memory_space<vmem>>)
        %dma_start3A_260 = arith.constant 0 : i32
        %dma_start3A_261 = arith.constant 0 : i32
        %dma_start3A_262 = arith.constant 0 : i32
        %dma_start3A_263 = tpu.memref_slice %arg13[%dma_start3A_261, %dma_start3A_262] : memref<200x128xf32, #tpu.memory_space<vmem>> -> memref<100x128xf32, #tpu.memory_space<vmem>>
        %dma_start3A_264 = arith.constant 0 : i32
        %dma_start3A_265 = tpu.memref_slice %arg8[%dma_start3A_260, %dma_start3A_264] : memref<2x100xi32, #tpu.memory_space<vmem>> -> memref<1x100xi32, #tpu.memory_space<vmem>>
        %dma_start3A_266 = tpu.memref_squeeze %dma_start3A_265 : memref<1x100xi32, #tpu.memory_space<vmem>> -> memref<100xi32, #tpu.memory_space<vmem>>
        %dma_start3A_267 = arith.constant 0 : i32
        %dma_start3A_268 = arith.constant 0 : i32
        %dma_start3A_269 = tpu.memref_slice %arg4[%dma_start3A_267, %dma_start3A_268] : memref<100000x128xf32, #tpu.memory_space<hbm>> -> memref<100000x128xf32, #tpu.memory_space<hbm>>
        tpu.enqueue_indirect_dma source(%dma_start3A_269 : memref<100000x128xf32, #tpu.memory_space<hbm>>) target(%dma_start3A_263 : memref<100x128xf32, #tpu.memory_space<vmem>>) offsets(%dma_start3A_266 : memref<100xi32, #tpu.memory_space<vmem>>) semaphore(%arg25 : memref<!tpu.dma_semaphore, #tpu.memory_space<semaphore_mem>>) {add = true}
        %dma_start3A_270 = arith.constant 1 : i32
        %dma_start3A_271 = arith.constant 100 : i32
        %dma_start3A_272 = arith.constant 0 : i32
        %dma_start3A_273 = tpu.memref_slice %arg13[%dma_start3A_271, %dma_start3A_272] : memref<200x128xf32, #tpu.memory_space<vmem>> -> memref<100x128xf32, #tpu.memory_space<vmem>>
        %dma_start3A_274 = arith.constant 0 : i32
        %dma_start3A_275 = tpu.memref_slice %arg8[%dma_start3A_270, %dma_start3A_274] : memref<2x100xi32, #tpu.memory_space<vmem>> -> memref<1x100xi32, #tpu.memory_space<vmem>>
        %dma_start3A_276 = tpu.memref_squeeze %dma_start3A_275 : memref<1x100xi32, #tpu.memory_space<vmem>> -> memref<100xi32, #tpu.memory_space<vmem>>
        %dma_start3A_277 = arith.constant 0 : i32
        %dma_start3A_278 = arith.constant 0 : i32
        %dma_start3A_279 = tpu.memref_slice %arg4[%dma_start3A_277, %dma_start3A_278] : memref<100000x128xf32, #tpu.memory_space<hbm>> -> memref<100000x128xf32, #tpu.memory_space<hbm>>
        tpu.enqueue_indirect_dma source(%dma_start3A_279 : memref<100000x128xf32, #tpu.memory_space<hbm>>) target(%dma_start3A_273 : memref<100x128xf32, #tpu.memory_space<vmem>>) offsets(%dma_start3A_276 : memref<100xi32, #tpu.memory_space<vmem>>) semaphore(%arg25 : memref<!tpu.dma_semaphore, #tpu.memory_space<semaphore_mem>>) {add = true}
      } else {
      }
      %add3A_130 = arith.constant 2 : i32
      %add3A_131 = arith.addi %add3A_122, %add3A_130 : i32
      %lt3A_132 = arith.constant 128 : i32
      %lt3A_133 = arith.cmpi slt, %add3A_131, %lt3A_132 : i32
      %convert_element_type3A_134 = arith.extui %lt3A_133 : i1 to i32
      %cond3A_135 = arith.constant 0 : i32
      %cond3A_136 = arith.cmpi ne, %convert_element_type3A_134, %cond3A_135 : i32
      scf.if %cond3A_136 {
        %add3A_254 = arith.constant 2 : i32
        %add3A_255 = arith.addi %add3A_122, %add3A_254 : i32
        %ge3A = arith.constant 4 : i32
        %ge3A_256 = arith.cmpi sge, %add3A_255, %ge3A : i32
        %convert_element_type3A_257 = arith.extui %ge3A_256 : i1 to i32
        %cond3A_258 = arith.constant 0 : i32
        %cond3A_259 = arith.cmpi ne, %convert_element_type3A_257, %cond3A_258 : i32
        scf.if %cond3A_259 {
          %dma_wait3A_269 = arith.constant 0 : i32
          %dma_wait3A_270 = arith.constant 0 : i32
          %dma_wait3A_271 = tpu.memref_slice %arg5[%dma_wait3A_269, %dma_wait3A_270] : memref<819200x128xf32, #tpu.memory_space<hbm>> -> memref<200x128xf32, #tpu.memory_space<hbm>>
          %dma_wait3A_272 = arith.constant 0 : i32
          %dma_wait3A_273 = arith.constant 0 : i32
          %dma_wait3A_274 = tpu.memref_slice %arg5[%dma_wait3A_272, %dma_wait3A_273] : memref<819200x128xf32, #tpu.memory_space<hbm>> -> memref<200x128xf32, #tpu.memory_space<hbm>>
          tpu.wait_dma2 semaphore(%arg30 : memref<!tpu.dma_semaphore, #tpu.memory_space<semaphore_mem>>) src(%arg14 : memref<200x128xf32, #tpu.memory_space<vmem>>) dst(%dma_wait3A_274 : memref<200x128xf32, #tpu.memory_space<hbm>>)
        } else {
        }
        %add3A_260 = arith.constant 2 : i32
        %add3A_261 = arith.addi %add3A_122, %add3A_260 : i32
        tpu.enqueue_dma source(%arg10 : memref<200x128xf32, #tpu.memory_space<vmem_shared>>) target(%arg14 : memref<200x128xf32, #tpu.memory_space<vmem>>) target_semaphore(%arg22 : memref<!tpu.dma_semaphore, #tpu.memory_space<semaphore_mem>>)
        %add3A_262 = arith.addi %mul3A_2, %add3A_261 : i32
        %mul3A_263 = arith.constant 2 : i32
        %mul3A_264 = arith.muli %mul3A_263, %add3A_262 : i32
        %dma_start3A_265 = arith.constant 0 : i32
        %dma_start3A_266 = tpu.memref_slice %arg2[%mul3A_264, %dma_start3A_265] : memref<8192x100xi32, #tpu.memory_space<hbm>> -> memref<2x100xi32, #tpu.memory_space<hbm>>
        %dma_start3A_267 = arith.constant 0 : i32
        %dma_start3A_268 = tpu.memref_slice %arg2[%mul3A_264, %dma_start3A_267] : memref<8192x100xi32, #tpu.memory_space<hbm>> -> memref<2x100xi32, #tpu.memory_space<hbm>>
        tpu.enqueue_dma source(%dma_start3A_268 : memref<2x100xi32, #tpu.memory_space<hbm>>) target(%arg9 : memref<2x100xi32, #tpu.memory_space<vmem>>) target_semaphore(%arg18 : memref<!tpu.dma_semaphore, #tpu.memory_space<semaphore_mem>>)
      } else {
      }
      %dma_wait3A_137 = arith.constant 0 : i32
      %dma_wait3A_138 = arith.constant 0 : i32
      %dma_wait3A_139 = arith.constant 0 : i32
      %dma_wait3A_140 = tpu.memref_slice %arg12[%dma_wait3A_138, %dma_wait3A_139] : memref<200x128xf32, #tpu.memory_space<vmem>> -> memref<100x128xf32, #tpu.memory_space<vmem>>
      %dma_wait3A_141 = arith.constant 0 : i32
      %dma_wait3A_142 = tpu.memref_slice %arg7[%dma_wait3A_137, %dma_wait3A_141] : memref<2x100xi32, #tpu.memory_space<vmem>> -> memref<1x100xi32, #tpu.memory_space<vmem>>
      %dma_wait3A_143 = tpu.memref_squeeze %dma_wait3A_142 : memref<1x100xi32, #tpu.memory_space<vmem>> -> memref<100xi32, #tpu.memory_space<vmem>>
      %dma_wait3A_144 = arith.constant 0 : i32
      %dma_wait3A_145 = arith.constant 0 : i32
      %dma_wait3A_146 = tpu.memref_slice %arg4[%dma_wait3A_144, %dma_wait3A_145] : memref<100000x128xf32, #tpu.memory_space<hbm>> -> memref<100000x128xf32, #tpu.memory_space<hbm>>
      tpu.wait_indirect_dma semaphore(%arg24 : memref<!tpu.dma_semaphore, #tpu.memory_space<semaphore_mem>>) src(%dma_wait3A_146 : memref<100000x128xf32, #tpu.memory_space<hbm>>) dst(%dma_wait3A_140 : memref<100x128xf32, #tpu.memory_space<vmem>>)
      %dma_wait3A_147 = arith.constant 1 : i32
      %dma_wait3A_148 = arith.constant 100 : i32
      %dma_wait3A_149 = arith.constant 0 : i32
      %dma_wait3A_150 = tpu.memref_slice %arg12[%dma_wait3A_148, %dma_wait3A_149] : memref<200x128xf32, #tpu.memory_space<vmem>> -> memref<100x128xf32, #tpu.memory_space<vmem>>
      %dma_wait3A_151 = arith.constant 0 : i32
      %dma_wait3A_152 = tpu.memref_slice %arg7[%dma_wait3A_147, %dma_wait3A_151] : memref<2x100xi32, #tpu.memory_space<vmem>> -> memref<1x100xi32, #tpu.memory_space<vmem>>
      %dma_wait3A_153 = tpu.memref_squeeze %dma_wait3A_152 : memref<1x100xi32, #tpu.memory_space<vmem>> -> memref<100xi32, #tpu.memory_space<vmem>>
      %dma_wait3A_154 = arith.constant 0 : i32
      %dma_wait3A_155 = arith.constant 0 : i32
      %dma_wait3A_156 = tpu.memref_slice %arg4[%dma_wait3A_154, %dma_wait3A_155] : memref<100000x128xf32, #tpu.memory_space<hbm>> -> memref<100000x128xf32, #tpu.memory_space<hbm>>
      tpu.wait_indirect_dma semaphore(%arg24 : memref<!tpu.dma_semaphore, #tpu.memory_space<semaphore_mem>>) src(%dma_wait3A_156 : memref<100000x128xf32, #tpu.memory_space<hbm>>) dst(%dma_wait3A_150 : memref<100x128xf32, #tpu.memory_space<vmem>>)
      %add3A_157 = arith.addi %mul3A_2, %add3A_122 : i32
      %mul3A_158 = arith.constant 200 : i32
      %mul3A_159 = arith.muli %add3A_157, %mul3A_158 : i32
      %dma_start3A_160 = arith.constant 0 : i32
      %dma_start3A_161 = tpu.memref_slice %arg5[%mul3A_159, %dma_start3A_160] : memref<819200x128xf32, #tpu.memory_space<hbm>> -> memref<200x128xf32, #tpu.memory_space<hbm>>
      %dma_start3A_162 = arith.constant 0 : i32
      %dma_start3A_163 = tpu.memref_slice %arg5[%mul3A_159, %dma_start3A_162] : memref<819200x128xf32, #tpu.memory_space<hbm>> -> memref<200x128xf32, #tpu.memory_space<hbm>>
      tpu.enqueue_dma source(%arg12 : memref<200x128xf32, #tpu.memory_space<vmem>>) target(%dma_start3A_163 : memref<200x128xf32, #tpu.memory_space<hbm>>) target_semaphore(%arg28 : memref<!tpu.dma_semaphore, #tpu.memory_space<semaphore_mem>>)
      %mul3A_164 = arith.constant 4 : i32
      %mul3A_165 = arith.muli %mul3A_164, %scan3A_74 : i32
      %add3A_166 = arith.constant 2 : i32
      %add3A_167 = arith.addi %mul3A_165, %add3A_166 : i32
      %add3A_168 = arith.constant 1 : i32
      %add3A_169 = arith.addi %add3A_167, %add3A_168 : i32
      %lt3A_170 = arith.constant 128 : i32
      %lt3A_171 = arith.cmpi slt, %add3A_169, %lt3A_170 : i32
      %convert_element_type3A_172 = arith.extui %lt3A_171 : i1 to i32
      %cond3A_173 = arith.constant 0 : i32
      %cond3A_174 = arith.cmpi ne, %convert_element_type3A_172, %cond3A_173 : i32
      scf.if %cond3A_174 {
        %dma_wait3A_254 = arith.constant 0 : i32
        %dma_wait3A_255 = arith.constant 0 : i32
        %dma_wait3A_256 = tpu.memref_slice %arg2[%dma_wait3A_254, %dma_wait3A_255] : memref<8192x100xi32, #tpu.memory_space<hbm>> -> memref<2x100xi32, #tpu.memory_space<hbm>>
        %dma_wait3A_257 = arith.constant 0 : i32
        %dma_wait3A_258 = arith.constant 0 : i32
        %dma_wait3A_259 = tpu.memref_slice %arg2[%dma_wait3A_257, %dma_wait3A_258] : memref<8192x100xi32, #tpu.memory_space<hbm>> -> memref<2x100xi32, #tpu.memory_space<hbm>>
        tpu.wait_dma2 semaphore(%arg18 : memref<!tpu.dma_semaphore, #tpu.memory_space<semaphore_mem>>) src(%dma_wait3A_259 : memref<2x100xi32, #tpu.memory_space<hbm>>) dst(%arg9 : memref<2x100xi32, #tpu.memory_space<vmem>>)
        tpu.wait_dma2 semaphore(%arg22 : memref<!tpu.dma_semaphore, #tpu.memory_space<semaphore_mem>>) src(%arg10 : memref<200x128xf32, #tpu.memory_space<vmem_shared>>) dst(%arg14 : memref<200x128xf32, #tpu.memory_space<vmem>>)
        %dma_start3A_260 = arith.constant 0 : i32
        %dma_start3A_261 = arith.constant 0 : i32
        %dma_start3A_262 = arith.constant 0 : i32
        %dma_start3A_263 = tpu.memref_slice %arg14[%dma_start3A_261, %dma_start3A_262] : memref<200x128xf32, #tpu.memory_space<vmem>> -> memref<100x128xf32, #tpu.memory_space<vmem>>
        %dma_start3A_264 = arith.constant 0 : i32
        %dma_start3A_265 = tpu.memref_slice %arg9[%dma_start3A_260, %dma_start3A_264] : memref<2x100xi32, #tpu.memory_space<vmem>> -> memref<1x100xi32, #tpu.memory_space<vmem>>
        %dma_start3A_266 = tpu.memref_squeeze %dma_start3A_265 : memref<1x100xi32, #tpu.memory_space<vmem>> -> memref<100xi32, #tpu.memory_space<vmem>>
        %dma_start3A_267 = arith.constant 0 : i32
        %dma_start3A_268 = arith.constant 0 : i32
        %dma_start3A_269 = tpu.memref_slice %arg4[%dma_start3A_267, %dma_start3A_268] : memref<100000x128xf32, #tpu.memory_space<hbm>> -> memref<100000x128xf32, #tpu.memory_space<hbm>>
        tpu.enqueue_indirect_dma source(%dma_start3A_269 : memref<100000x128xf32, #tpu.memory_space<hbm>>) target(%dma_start3A_263 : memref<100x128xf32, #tpu.memory_space<vmem>>) offsets(%dma_start3A_266 : memref<100xi32, #tpu.memory_space<vmem>>) semaphore(%arg26 : memref<!tpu.dma_semaphore, #tpu.memory_space<semaphore_mem>>) {add = true}
        %dma_start3A_270 = arith.constant 1 : i32
        %dma_start3A_271 = arith.constant 100 : i32
        %dma_start3A_272 = arith.constant 0 : i32
        %dma_start3A_273 = tpu.memref_slice %arg14[%dma_start3A_271, %dma_start3A_272] : memref<200x128xf32, #tpu.memory_space<vmem>> -> memref<100x128xf32, #tpu.memory_space<vmem>>
        %dma_start3A_274 = arith.constant 0 : i32
        %dma_start3A_275 = tpu.memref_slice %arg9[%dma_start3A_270, %dma_start3A_274] : memref<2x100xi32, #tpu.memory_space<vmem>> -> memref<1x100xi32, #tpu.memory_space<vmem>>
        %dma_start3A_276 = tpu.memref_squeeze %dma_start3A_275 : memref<1x100xi32, #tpu.memory_space<vmem>> -> memref<100xi32, #tpu.memory_space<vmem>>
        %dma_start3A_277 = arith.constant 0 : i32
        %dma_start3A_278 = arith.constant 0 : i32
        %dma_start3A_279 = tpu.memref_slice %arg4[%dma_start3A_277, %dma_start3A_278] : memref<100000x128xf32, #tpu.memory_space<hbm>> -> memref<100000x128xf32, #tpu.memory_space<hbm>>
        tpu.enqueue_indirect_dma source(%dma_start3A_279 : memref<100000x128xf32, #tpu.memory_space<hbm>>) target(%dma_start3A_273 : memref<100x128xf32, #tpu.memory_space<vmem>>) offsets(%dma_start3A_276 : memref<100xi32, #tpu.memory_space<vmem>>) semaphore(%arg26 : memref<!tpu.dma_semaphore, #tpu.memory_space<semaphore_mem>>) {add = true}
      } else {
      }
      %add3A_175 = arith.constant 2 : i32
      %add3A_176 = arith.addi %add3A_167, %add3A_175 : i32
      %lt3A_177 = arith.constant 128 : i32
      %lt3A_178 = arith.cmpi slt, %add3A_176, %lt3A_177 : i32
      %convert_element_type3A_179 = arith.extui %lt3A_178 : i1 to i32
      %cond3A_180 = arith.constant 0 : i32
      %cond3A_181 = arith.cmpi ne, %convert_element_type3A_179, %cond3A_180 : i32
      scf.if %cond3A_181 {
        %add3A_254 = arith.constant 2 : i32
        %add3A_255 = arith.addi %add3A_167, %add3A_254 : i32
        %ge3A = arith.constant 4 : i32
        %ge3A_256 = arith.cmpi sge, %add3A_255, %ge3A : i32
        %convert_element_type3A_257 = arith.extui %ge3A_256 : i1 to i32
        %cond3A_258 = arith.constant 0 : i32
        %cond3A_259 = arith.cmpi ne, %convert_element_type3A_257, %cond3A_258 : i32
        scf.if %cond3A_259 {
          %dma_wait3A_269 = arith.constant 0 : i32
          %dma_wait3A_270 = arith.constant 0 : i32
          %dma_wait3A_271 = tpu.memref_slice %arg5[%dma_wait3A_269, %dma_wait3A_270] : memref<819200x128xf32, #tpu.memory_space<hbm>> -> memref<200x128xf32, #tpu.memory_space<hbm>>
          %dma_wait3A_272 = arith.constant 0 : i32
          %dma_wait3A_273 = arith.constant 0 : i32
          %dma_wait3A_274 = tpu.memref_slice %arg5[%dma_wait3A_272, %dma_wait3A_273] : memref<819200x128xf32, #tpu.memory_space<hbm>> -> memref<200x128xf32, #tpu.memory_space<hbm>>
          tpu.wait_dma2 semaphore(%arg27 : memref<!tpu.dma_semaphore, #tpu.memory_space<semaphore_mem>>) src(%arg11 : memref<200x128xf32, #tpu.memory_space<vmem>>) dst(%dma_wait3A_274 : memref<200x128xf32, #tpu.memory_space<hbm>>)
        } else {
        }
        %add3A_260 = arith.constant 2 : i32
        %add3A_261 = arith.addi %add3A_167, %add3A_260 : i32
        tpu.enqueue_dma source(%arg10 : memref<200x128xf32, #tpu.memory_space<vmem_shared>>) target(%arg11 : memref<200x128xf32, #tpu.memory_space<vmem>>) target_semaphore(%arg19 : memref<!tpu.dma_semaphore, #tpu.memory_space<semaphore_mem>>)
        %add3A_262 = arith.addi %mul3A_2, %add3A_261 : i32
        %mul3A_263 = arith.constant 2 : i32
        %mul3A_264 = arith.muli %mul3A_263, %add3A_262 : i32
        %dma_start3A_265 = arith.constant 0 : i32
        %dma_start3A_266 = tpu.memref_slice %arg2[%mul3A_264, %dma_start3A_265] : memref<8192x100xi32, #tpu.memory_space<hbm>> -> memref<2x100xi32, #tpu.memory_space<hbm>>
        %dma_start3A_267 = arith.constant 0 : i32
        %dma_start3A_268 = tpu.memref_slice %arg2[%mul3A_264, %dma_start3A_267] : memref<8192x100xi32, #tpu.memory_space<hbm>> -> memref<2x100xi32, #tpu.memory_space<hbm>>
        tpu.enqueue_dma source(%dma_start3A_268 : memref<2x100xi32, #tpu.memory_space<hbm>>) target(%arg6 : memref<2x100xi32, #tpu.memory_space<vmem>>) target_semaphore(%arg15 : memref<!tpu.dma_semaphore, #tpu.memory_space<semaphore_mem>>)
      } else {
      }
      %dma_wait3A_182 = arith.constant 0 : i32
      %dma_wait3A_183 = arith.constant 0 : i32
      %dma_wait3A_184 = arith.constant 0 : i32
      %dma_wait3A_185 = tpu.memref_slice %arg13[%dma_wait3A_183, %dma_wait3A_184] : memref<200x128xf32, #tpu.memory_space<vmem>> -> memref<100x128xf32, #tpu.memory_space<vmem>>
      %dma_wait3A_186 = arith.constant 0 : i32
      %dma_wait3A_187 = tpu.memref_slice %arg8[%dma_wait3A_182, %dma_wait3A_186] : memref<2x100xi32, #tpu.memory_space<vmem>> -> memref<1x100xi32, #tpu.memory_space<vmem>>
      %dma_wait3A_188 = tpu.memref_squeeze %dma_wait3A_187 : memref<1x100xi32, #tpu.memory_space<vmem>> -> memref<100xi32, #tpu.memory_space<vmem>>
      %dma_wait3A_189 = arith.constant 0 : i32
      %dma_wait3A_190 = arith.constant 0 : i32
      %dma_wait3A_191 = tpu.memref_slice %arg4[%dma_wait3A_189, %dma_wait3A_190] : memref<100000x128xf32, #tpu.memory_space<hbm>> -> memref<100000x128xf32, #tpu.memory_space<hbm>>
      tpu.wait_indirect_dma semaphore(%arg25 : memref<!tpu.dma_semaphore, #tpu.memory_space<semaphore_mem>>) src(%dma_wait3A_191 : memref<100000x128xf32, #tpu.memory_space<hbm>>) dst(%dma_wait3A_185 : memref<100x128xf32, #tpu.memory_space<vmem>>)
      %dma_wait3A_192 = arith.constant 1 : i32
      %dma_wait3A_193 = arith.constant 100 : i32
      %dma_wait3A_194 = arith.constant 0 : i32
      %dma_wait3A_195 = tpu.memref_slice %arg13[%dma_wait3A_193, %dma_wait3A_194] : memref<200x128xf32, #tpu.memory_space<vmem>> -> memref<100x128xf32, #tpu.memory_space<vmem>>
      %dma_wait3A_196 = arith.constant 0 : i32
      %dma_wait3A_197 = tpu.memref_slice %arg8[%dma_wait3A_192, %dma_wait3A_196] : memref<2x100xi32, #tpu.memory_space<vmem>> -> memref<1x100xi32, #tpu.memory_space<vmem>>
      %dma_wait3A_198 = tpu.memref_squeeze %dma_wait3A_197 : memref<1x100xi32, #tpu.memory_space<vmem>> -> memref<100xi32, #tpu.memory_space<vmem>>
      %dma_wait3A_199 = arith.constant 0 : i32
      %dma_wait3A_200 = arith.constant 0 : i32
      %dma_wait3A_201 = tpu.memref_slice %arg4[%dma_wait3A_199, %dma_wait3A_200] : memref<100000x128xf32, #tpu.memory_space<hbm>> -> memref<100000x128xf32, #tpu.memory_space<hbm>>
      tpu.wait_indirect_dma semaphore(%arg25 : memref<!tpu.dma_semaphore, #tpu.memory_space<semaphore_mem>>) src(%dma_wait3A_201 : memref<100000x128xf32, #tpu.memory_space<hbm>>) dst(%dma_wait3A_195 : memref<100x128xf32, #tpu.memory_space<vmem>>)
      %add3A_202 = arith.addi %mul3A_2, %add3A_167 : i32
      %mul3A_203 = arith.constant 200 : i32
      %mul3A_204 = arith.muli %add3A_202, %mul3A_203 : i32
      %dma_start3A_205 = arith.constant 0 : i32
      %dma_start3A_206 = tpu.memref_slice %arg5[%mul3A_204, %dma_start3A_205] : memref<819200x128xf32, #tpu.memory_space<hbm>> -> memref<200x128xf32, #tpu.memory_space<hbm>>
      %dma_start3A_207 = arith.constant 0 : i32
      %dma_start3A_208 = tpu.memref_slice %arg5[%mul3A_204, %dma_start3A_207] : memref<819200x128xf32, #tpu.memory_space<hbm>> -> memref<200x128xf32, #tpu.memory_space<hbm>>
      tpu.enqueue_dma source(%arg13 : memref<200x128xf32, #tpu.memory_space<vmem>>) target(%dma_start3A_208 : memref<200x128xf32, #tpu.memory_space<hbm>>) target_semaphore(%arg29 : memref<!tpu.dma_semaphore, #tpu.memory_space<semaphore_mem>>)
      %mul3A_209 = arith.constant 4 : i32
      %mul3A_210 = arith.muli %mul3A_209, %scan3A_74 : i32
      %add3A_211 = arith.constant 3 : i32
      %add3A_212 = arith.addi %mul3A_210, %add3A_211 : i32
      %add3A_213 = arith.constant 1 : i32
      %add3A_214 = arith.addi %add3A_212, %add3A_213 : i32
      %lt3A_215 = arith.constant 128 : i32
      %lt3A_216 = arith.cmpi slt, %add3A_214, %lt3A_215 : i32
      %convert_element_type3A_217 = arith.extui %lt3A_216 : i1 to i32
      %cond3A_218 = arith.constant 0 : i32
      %cond3A_219 = arith.cmpi ne, %convert_element_type3A_217, %cond3A_218 : i32
      scf.if %cond3A_219 {
        %dma_wait3A_254 = arith.constant 0 : i32
        %dma_wait3A_255 = arith.constant 0 : i32
        %dma_wait3A_256 = tpu.memref_slice %arg2[%dma_wait3A_254, %dma_wait3A_255] : memref<8192x100xi32, #tpu.memory_space<hbm>> -> memref<2x100xi32, #tpu.memory_space<hbm>>
        %dma_wait3A_257 = arith.constant 0 : i32
        %dma_wait3A_258 = arith.constant 0 : i32
        %dma_wait3A_259 = tpu.memref_slice %arg2[%dma_wait3A_257, %dma_wait3A_258] : memref<8192x100xi32, #tpu.memory_space<hbm>> -> memref<2x100xi32, #tpu.memory_space<hbm>>
        tpu.wait_dma2 semaphore(%arg15 : memref<!tpu.dma_semaphore, #tpu.memory_space<semaphore_mem>>) src(%dma_wait3A_259 : memref<2x100xi32, #tpu.memory_space<hbm>>) dst(%arg6 : memref<2x100xi32, #tpu.memory_space<vmem>>)
        tpu.wait_dma2 semaphore(%arg19 : memref<!tpu.dma_semaphore, #tpu.memory_space<semaphore_mem>>) src(%arg10 : memref<200x128xf32, #tpu.memory_space<vmem_shared>>) dst(%arg11 : memref<200x128xf32, #tpu.memory_space<vmem>>)
        %dma_start3A_260 = arith.constant 0 : i32
        %dma_start3A_261 = arith.constant 0 : i32
        %dma_start3A_262 = arith.constant 0 : i32
        %dma_start3A_263 = tpu.memref_slice %arg11[%dma_start3A_261, %dma_start3A_262] : memref<200x128xf32, #tpu.memory_space<vmem>> -> memref<100x128xf32, #tpu.memory_space<vmem>>
        %dma_start3A_264 = arith.constant 0 : i32
        %dma_start3A_265 = tpu.memref_slice %arg6[%dma_start3A_260, %dma_start3A_264] : memref<2x100xi32, #tpu.memory_space<vmem>> -> memref<1x100xi32, #tpu.memory_space<vmem>>
        %dma_start3A_266 = tpu.memref_squeeze %dma_start3A_265 : memref<1x100xi32, #tpu.memory_space<vmem>> -> memref<100xi32, #tpu.memory_space<vmem>>
        %dma_start3A_267 = arith.constant 0 : i32
        %dma_start3A_268 = arith.constant 0 : i32
        %dma_start3A_269 = tpu.memref_slice %arg4[%dma_start3A_267, %dma_start3A_268] : memref<100000x128xf32, #tpu.memory_space<hbm>> -> memref<100000x128xf32, #tpu.memory_space<hbm>>
        tpu.enqueue_indirect_dma source(%dma_start3A_269 : memref<100000x128xf32, #tpu.memory_space<hbm>>) target(%dma_start3A_263 : memref<100x128xf32, #tpu.memory_space<vmem>>) offsets(%dma_start3A_266 : memref<100xi32, #tpu.memory_space<vmem>>) semaphore(%arg23 : memref<!tpu.dma_semaphore, #tpu.memory_space<semaphore_mem>>) {add = true}
        %dma_start3A_270 = arith.constant 1 : i32
        %dma_start3A_271 = arith.constant 100 : i32
        %dma_start3A_272 = arith.constant 0 : i32
        %dma_start3A_273 = tpu.memref_slice %arg11[%dma_start3A_271, %dma_start3A_272] : memref<200x128xf32, #tpu.memory_space<vmem>> -> memref<100x128xf32, #tpu.memory_space<vmem>>
        %dma_start3A_274 = arith.constant 0 : i32
        %dma_start3A_275 = tpu.memref_slice %arg6[%dma_start3A_270, %dma_start3A_274] : memref<2x100xi32, #tpu.memory_space<vmem>> -> memref<1x100xi32, #tpu.memory_space<vmem>>
        %dma_start3A_276 = tpu.memref_squeeze %dma_start3A_275 : memref<1x100xi32, #tpu.memory_space<vmem>> -> memref<100xi32, #tpu.memory_space<vmem>>
        %dma_start3A_277 = arith.constant 0 : i32
        %dma_start3A_278 = arith.constant 0 : i32
        %dma_start3A_279 = tpu.memref_slice %arg4[%dma_start3A_277, %dma_start3A_278] : memref<100000x128xf32, #tpu.memory_space<hbm>> -> memref<100000x128xf32, #tpu.memory_space<hbm>>
        tpu.enqueue_indirect_dma source(%dma_start3A_279 : memref<100000x128xf32, #tpu.memory_space<hbm>>) target(%dma_start3A_273 : memref<100x128xf32, #tpu.memory_space<vmem>>) offsets(%dma_start3A_276 : memref<100xi32, #tpu.memory_space<vmem>>) semaphore(%arg23 : memref<!tpu.dma_semaphore, #tpu.memory_space<semaphore_mem>>) {add = true}
      } else {
      }
      %add3A_220 = arith.constant 2 : i32
      %add3A_221 = arith.addi %add3A_212, %add3A_220 : i32
      %lt3A_222 = arith.constant 128 : i32
      %lt3A_223 = arith.cmpi slt, %add3A_221, %lt3A_222 : i32
      %convert_element_type3A_224 = arith.extui %lt3A_223 : i1 to i32
      %cond3A_225 = arith.constant 0 : i32
      %cond3A_226 = arith.cmpi ne, %convert_element_type3A_224, %cond3A_225 : i32
      scf.if %cond3A_226 {
        %add3A_254 = arith.constant 2 : i32
        %add3A_255 = arith.addi %add3A_212, %add3A_254 : i32
        %ge3A = arith.constant 4 : i32
        %ge3A_256 = arith.cmpi sge, %add3A_255, %ge3A : i32
        %convert_element_type3A_257 = arith.extui %ge3A_256 : i1 to i32
        %cond3A_258 = arith.constant 0 : i32
        %cond3A_259 = arith.cmpi ne, %convert_element_type3A_257, %cond3A_258 : i32
        scf.if %cond3A_259 {
          %dma_wait3A_269 = arith.constant 0 : i32
          %dma_wait3A_270 = arith.constant 0 : i32
          %dma_wait3A_271 = tpu.memref_slice %arg5[%dma_wait3A_269, %dma_wait3A_270] : memref<819200x128xf32, #tpu.memory_space<hbm>> -> memref<200x128xf32, #tpu.memory_space<hbm>>
          %dma_wait3A_272 = arith.constant 0 : i32
          %dma_wait3A_273 = arith.constant 0 : i32
          %dma_wait3A_274 = tpu.memref_slice %arg5[%dma_wait3A_272, %dma_wait3A_273] : memref<819200x128xf32, #tpu.memory_space<hbm>> -> memref<200x128xf32, #tpu.memory_space<hbm>>
          tpu.wait_dma2 semaphore(%arg28 : memref<!tpu.dma_semaphore, #tpu.memory_space<semaphore_mem>>) src(%arg12 : memref<200x128xf32, #tpu.memory_space<vmem>>) dst(%dma_wait3A_274 : memref<200x128xf32, #tpu.memory_space<hbm>>)
        } else {
        }
        %add3A_260 = arith.constant 2 : i32
        %add3A_261 = arith.addi %add3A_212, %add3A_260 : i32
        tpu.enqueue_dma source(%arg10 : memref<200x128xf32, #tpu.memory_space<vmem_shared>>) target(%arg12 : memref<200x128xf32, #tpu.memory_space<vmem>>) target_semaphore(%arg20 : memref<!tpu.dma_semaphore, #tpu.memory_space<semaphore_mem>>)
        %add3A_262 = arith.addi %mul3A_2, %add3A_261 : i32
        %mul3A_263 = arith.constant 2 : i32
        %mul3A_264 = arith.muli %mul3A_263, %add3A_262 : i32
        %dma_start3A_265 = arith.constant 0 : i32
        %dma_start3A_266 = tpu.memref_slice %arg2[%mul3A_264, %dma_start3A_265] : memref<8192x100xi32, #tpu.memory_space<hbm>> -> memref<2x100xi32, #tpu.memory_space<hbm>>
        %dma_start3A_267 = arith.constant 0 : i32
        %dma_start3A_268 = tpu.memref_slice %arg2[%mul3A_264, %dma_start3A_267] : memref<8192x100xi32, #tpu.memory_space<hbm>> -> memref<2x100xi32, #tpu.memory_space<hbm>>
        tpu.enqueue_dma source(%dma_start3A_268 : memref<2x100xi32, #tpu.memory_space<hbm>>) target(%arg7 : memref<2x100xi32, #tpu.memory_space<vmem>>) target_semaphore(%arg16 : memref<!tpu.dma_semaphore, #tpu.memory_space<semaphore_mem>>)
      } else {
      }
      %dma_wait3A_227 = arith.constant 0 : i32
      %dma_wait3A_228 = arith.constant 0 : i32
      %dma_wait3A_229 = arith.constant 0 : i32
      %dma_wait3A_230 = tpu.memref_slice %arg14[%dma_wait3A_228, %dma_wait3A_229] : memref<200x128xf32, #tpu.memory_space<vmem>> -> memref<100x128xf32, #tpu.memory_space<vmem>>
      %dma_wait3A_231 = arith.constant 0 : i32
      %dma_wait3A_232 = tpu.memref_slice %arg9[%dma_wait3A_227, %dma_wait3A_231] : memref<2x100xi32, #tpu.memory_space<vmem>> -> memref<1x100xi32, #tpu.memory_space<vmem>>
      %dma_wait3A_233 = tpu.memref_squeeze %dma_wait3A_232 : memref<1x100xi32, #tpu.memory_space<vmem>> -> memref<100xi32, #tpu.memory_space<vmem>>
      %dma_wait3A_234 = arith.constant 0 : i32
      %dma_wait3A_235 = arith.constant 0 : i32
      %dma_wait3A_236 = tpu.memref_slice %arg4[%dma_wait3A_234, %dma_wait3A_235] : memref<100000x128xf32, #tpu.memory_space<hbm>> -> memref<100000x128xf32, #tpu.memory_space<hbm>>
      tpu.wait_indirect_dma semaphore(%arg26 : memref<!tpu.dma_semaphore, #tpu.memory_space<semaphore_mem>>) src(%dma_wait3A_236 : memref<100000x128xf32, #tpu.memory_space<hbm>>) dst(%dma_wait3A_230 : memref<100x128xf32, #tpu.memory_space<vmem>>)
      %dma_wait3A_237 = arith.constant 1 : i32
      %dma_wait3A_238 = arith.constant 100 : i32
      %dma_wait3A_239 = arith.constant 0 : i32
      %dma_wait3A_240 = tpu.memref_slice %arg14[%dma_wait3A_238, %dma_wait3A_239] : memref<200x128xf32, #tpu.memory_space<vmem>> -> memref<100x128xf32, #tpu.memory_space<vmem>>
      %dma_wait3A_241 = arith.constant 0 : i32
      %dma_wait3A_242 = tpu.memref_slice %arg9[%dma_wait3A_237, %dma_wait3A_241] : memref<2x100xi32, #tpu.memory_space<vmem>> -> memref<1x100xi32, #tpu.memory_space<vmem>>
      %dma_wait3A_243 = tpu.memref_squeeze %dma_wait3A_242 : memref<1x100xi32, #tpu.memory_space<vmem>> -> memref<100xi32, #tpu.memory_space<vmem>>
      %dma_wait3A_244 = arith.constant 0 : i32
      %dma_wait3A_245 = arith.constant 0 : i32
      %dma_wait3A_246 = tpu.memref_slice %arg4[%dma_wait3A_244, %dma_wait3A_245] : memref<100000x128xf32, #tpu.memory_space<hbm>> -> memref<100000x128xf32, #tpu.memory_space<hbm>>
      tpu.wait_indirect_dma semaphore(%arg26 : memref<!tpu.dma_semaphore, #tpu.memory_space<semaphore_mem>>) src(%dma_wait3A_246 : memref<100000x128xf32, #tpu.memory_space<hbm>>) dst(%dma_wait3A_240 : memref<100x128xf32, #tpu.memory_space<vmem>>)
      %add3A_247 = arith.addi %mul3A_2, %add3A_212 : i32
      %mul3A_248 = arith.constant 200 : i32
      %mul3A_249 = arith.muli %add3A_247, %mul3A_248 : i32
      %dma_start3A_250 = arith.constant 0 : i32
      %dma_start3A_251 = tpu.memref_slice %arg5[%mul3A_249, %dma_start3A_250] : memref<819200x128xf32, #tpu.memory_space<hbm>> -> memref<200x128xf32, #tpu.memory_space<hbm>>
      %dma_start3A_252 = arith.constant 0 : i32
      %dma_start3A_253 = tpu.memref_slice %arg5[%mul3A_249, %dma_start3A_252] : memref<819200x128xf32, #tpu.memory_space<hbm>> -> memref<200x128xf32, #tpu.memory_space<hbm>>
      tpu.enqueue_dma source(%arg14 : memref<200x128xf32, #tpu.memory_space<vmem>>) target(%dma_start3A_253 : memref<200x128xf32, #tpu.memory_space<hbm>>) target_semaphore(%arg30 : memref<!tpu.dma_semaphore, #tpu.memory_space<semaphore_mem>>)
    }
    %scan3A_49 = arith.constant 32 : i32
    %dma_wait3A_50 = arith.constant 0 : i32
    %dma_wait3A_51 = arith.constant 0 : i32
    %dma_wait3A_52 = tpu.memref_slice %arg5[%dma_wait3A_50, %dma_wait3A_51] : memref<819200x128xf32, #tpu.memory_space<hbm>> -> memref<200x128xf32, #tpu.memory_space<hbm>>
    %dma_wait3A_53 = arith.constant 0 : i32
    %dma_wait3A_54 = arith.constant 0 : i32
    %dma_wait3A_55 = tpu.memref_slice %arg5[%dma_wait3A_53, %dma_wait3A_54] : memref<819200x128xf32, #tpu.memory_space<hbm>> -> memref<200x128xf32, #tpu.memory_space<hbm>>
    tpu.wait_dma2 semaphore(%arg27 : memref<!tpu.dma_semaphore, #tpu.memory_space<semaphore_mem>>) src(%arg11 : memref<200x128xf32, #tpu.memory_space<vmem>>) dst(%dma_wait3A_55 : memref<200x128xf32, #tpu.memory_space<hbm>>)
    %dma_wait3A_56 = arith.constant 0 : i32
    %dma_wait3A_57 = arith.constant 0 : i32
    %dma_wait3A_58 = tpu.memref_slice %arg5[%dma_wait3A_56, %dma_wait3A_57] : memref<819200x128xf32, #tpu.memory_space<hbm>> -> memref<200x128xf32, #tpu.memory_space<hbm>>
    %dma_wait3A_59 = arith.constant 0 : i32
    %dma_wait3A_60 = arith.constant 0 : i32
    %dma_wait3A_61 = tpu.memref_slice %arg5[%dma_wait3A_59, %dma_wait3A_60] : memref<819200x128xf32, #tpu.memory_space<hbm>> -> memref<200x128xf32, #tpu.memory_space<hbm>>
    tpu.wait_dma2 semaphore(%arg28 : memref<!tpu.dma_semaphore, #tpu.memory_space<semaphore_mem>>) src(%arg12 : memref<200x128xf32, #tpu.memory_space<vmem>>) dst(%dma_wait3A_61 : memref<200x128xf32, #tpu.memory_space<hbm>>)
    %dma_wait3A_62 = arith.constant 0 : i32
    %dma_wait3A_63 = arith.constant 0 : i32
    %dma_wait3A_64 = tpu.memref_slice %arg5[%dma_wait3A_62, %dma_wait3A_63] : memref<819200x128xf32, #tpu.memory_space<hbm>> -> memref<200x128xf32, #tpu.memory_space<hbm>>
    %dma_wait3A_65 = arith.constant 0 : i32
    %dma_wait3A_66 = arith.constant 0 : i32
    %dma_wait3A_67 = tpu.memref_slice %arg5[%dma_wait3A_65, %dma_wait3A_66] : memref<819200x128xf32, #tpu.memory_space<hbm>> -> memref<200x128xf32, #tpu.memory_space<hbm>>
    tpu.wait_dma2 semaphore(%arg29 : memref<!tpu.dma_semaphore, #tpu.memory_space<semaphore_mem>>) src(%arg13 : memref<200x128xf32, #tpu.memory_space<vmem>>) dst(%dma_wait3A_67 : memref<200x128xf32, #tpu.memory_space<hbm>>)
    %dma_wait3A_68 = arith.constant 0 : i32
    %dma_wait3A_69 = arith.constant 0 : i32
    %dma_wait3A_70 = tpu.memref_slice %arg5[%dma_wait3A_68, %dma_wait3A_69] : memref<819200x128xf32, #tpu.memory_space<hbm>> -> memref<200x128xf32, #tpu.memory_space<hbm>>
    %dma_wait3A_71 = arith.constant 0 : i32
    %dma_wait3A_72 = arith.constant 0 : i32
    %dma_wait3A_73 = tpu.memref_slice %arg5[%dma_wait3A_71, %dma_wait3A_72] : memref<819200x128xf32, #tpu.memory_space<hbm>> -> memref<200x128xf32, #tpu.memory_space<hbm>>
    tpu.wait_dma2 semaphore(%arg30 : memref<!tpu.dma_semaphore, #tpu.memory_space<semaphore_mem>>) src(%arg14 : memref<200x128xf32, #tpu.memory_space<vmem>>) dst(%dma_wait3A_73 : memref<200x128xf32, #tpu.memory_space<hbm>>)
    return
  }
}

</mosaic_0001>

<sc_bundles>
// kernel: kernel.3.cloned.1.call-start
scs
__scs_entry_jumppad:
0x0: {  	(pc) =	sbr.rel $0x88, $3  }
0x1: {  	(tag) =	ssettag $0x0;
	lr =	simm.s32 $0x1  }
0x2: {  	[smem:$0x3F9E] =	sst lr;
	_ =	strace $0xD0000000  }
0x3: {  	_ = 	snop  }
0x4: {  	_ = 	snop  }
0x5: {  	_ = 	snop  }
0x6: {  	_ = 	snop  }
0x7: {  	_ = 	snop  }
__scs_overlays_trampoline_lowered:
0x8: {  	[smem:$0x3FAD] =	sst s0  }
0x9: {  	[smem:$0x3FAE] =	sst s1  }
0xa: {  	[smem:$0x3FAF] =	sst s2  }
0xb: {  	[smem:$0x3FB0] =	sst s3  }
0xc: {  	[smem:$0x3FB1] =	sst s4  }
0xd: {  	[smem:$0x3FB2] =	sst s5  }
0xe: {  	[smem:$0x3FB3] =	sst s6  }
0xf: {  	[smem:$0x3FB4] =	sst s7  }
0x10: {  	[smem:$0x3FB5] =	sst s8  }
0x11: {  	[smem:$0x3FB6] =	sst s9;
	s0 =	simm.s32 @!p0 $0x0  }
0x12: {  	s1 =	sld [smem:$0x3F9C];
	s0 =	simm.s32 @p0 $0x1  }
0x13: {  	[smem:$0x3FB7] =	sst s0;
	s0 =	simm.s32 @!p1 $0x0  }
0x14: {  	s2 =	sld [smem:$0x3F9B];
	s0 =	simm.s32 @p1 $0x1  }
0x15: {  	[smem:$0x3FB8] =	sst s0;
	s0 =	simm.s32 @!p2 $0x0  }
0x16: {  	s3 =	sld [smem:$0x3FDB];
	s0 =	simm.s32 @p2 $0x1  }
0x17: {  	s4 =	simm.s32 $0x1BF5;
	[smem:$0x3FBA] =	sst s0  }
0x18: {  	s0 =	sld [smem:$0x3F9D];
	_ =	swait.ge [sflag:s4], $0x0  }
0x19: {  	s7 =	sld [smem:$0x3F9E]  }
0x1a: {  	s8 =	sadd.s32 $0xFFFFE003, lr  }
0x1b: {  	s9 =	sadd.s32 $0xFFFFFEF7, lr;
	s5 =	simm.s32 $0xFFFFFFFF;
	p2 =	slt.u32 s8, $0xFFFFF086  }
0x1c: {  	p1 =	slt.u32 s9, $0xF7A;
	s5 =	simm.s32 @!p2 $0x0  }
0x1d: {  	s5 =	simm.s32 @p1 $0x1;
	p0 =	seq.s32 s7, s2  }
0x1e: {  	s7 =	smul.u32 @!p0 $0xF7A, s2;
	p2 =	seq.s32 @!p0 s5, $0x0  }
0x1f: {  	s9 =	smul.u32 $0xF7A, s1;
	s8 =	simm.s32 @!p0 $0x1BF5;
	p2 =	por !p2, p0  }
0x20: {  	[sflag:s8] =	ssyncset.s32 @!p0 $0xFFFFF086;
	s6 =	sadd.s32 @!p0 s3, s7;
	s7 =	simm.s32 @!p0 $0x108  }
0x21: {  	s3 =	sadd.s32 s3, s9;
	s6 =	sadd.s32 @!p0 $0x88, s6;
	s7 =	simm.s32 @p2 $0x1082  }
0x22: {  	[simem:s7], [sflag:s8] =	dma.local @!p0 [hbm:s6], $0xF7A  }
0x23: {  	s9 =	sor.u32 $0xD0000000, s2;
	s6 =	simm.s32 $0x108;
	_ =	swait.ge @!p0 [sflag:s8], $0x0  }
0x24: {  	s3 =	sadd.s32 $0x88, s3;
	s6 =	simm.s32 @!p1 $0x1082;
	[sflag:s4] =	ssyncset.s32 $0xFFFFF086  }
0x25: {  	[simem:s6], [sflag:s4] =	dma.local [hbm:s3], $0xF7A  }
0x26: {  	[smem:$0x3F9E] =	sst s1;
	(tag) =	ssettag s2;
	_ =	strace s9  }
0x27: {  	s1 =	sld [smem:$0x3FAE]  }
0x28: {  	s2 =	sld [smem:$0x3FAF]  }
0x29: {  	s4 =	sld [smem:$0x3FB1]  }
0x2a: {  	p0 =	seq.s32 s5, $0x0;
	s5 =	sld [smem:$0x3FB2]  }
0x2b: {  	s6 =	sld [smem:$0x3FB3]  }
0x2c: {  	s7 =	sld [smem:$0x3FB4]  }
0x2d: {  	s3 =	simm.s32 $0x108;
	s8 =	sld [smem:$0x3FB5]  }
0x2e: {  	s3 =	simm.s32 @!p0 $0x1082;
	s9 =	sld [smem:$0x3FB6]  }
0x2f: {  	lr =	sadd.s32 s0, s3;
	s0 =	sld [smem:$0x3FAD]  }
0x30: {  	s3 =	sld [smem:$0x3FB0]  }
0x31: {  	[smem:$0x3FB9] =	sst s10  }
0x32: {  	s10 =	sld [smem:$0x3FB7];
	_ =	sdelay $0x3  }
0x33: {  	p0 =	seq.s32 s10, $0x1;
	s10 =	sld [smem:$0x3FB9];
	_ =	sdelay $0x3  }
0x34: {  	[smem:$0x3FB9] =	sst s10  }
0x35: {  	s10 =	sld [smem:$0x3FB8];
	_ =	sdelay $0x3  }
0x36: {  	p1 =	seq.s32 s10, $0x1;
	s10 =	sld [smem:$0x3FB9];
	_ =	sdelay $0x3  }
0x37: {  	[smem:$0x3FB9] =	sst s10  }
0x38: {  	s10 =	sld [smem:$0x3FBA]  }
0x39: {  	_ = 	snop;
	(pc) =	sbr.ind lr, $3  }
0x3a: {  	_ = 	snop  }
0x3b: {  	_ = 	snop  }
0x3c: {  	p2 =	seq.s32 s10, $0x1;
	s10 =	sld [smem:$0x3FB9]  }
0x3d: {  	_ =	shalt  }
0x3e: {  	_ =	shalt  }
0x3f: {  	_ =	shalt  }
0x40: {  	_ =	shalt  }
0x41: {  	_ =	shalt  }
0x42: {  	_ =	shalt  }
0x43: {  	_ =	shalt  }
0x44: {  	_ =	shalt  }
0x45: {  	_ =	shalt  }
0x46: {  	_ =	shalt  }
0x47: {  	_ =	shalt  }
0x48: {  	_ =	shalt  }
0x49: {  	_ =	shalt  }
0x4a: {  	_ =	shalt  }
0x4b: {  	_ =	shalt  }
0x4c: {  	_ =	shalt  }
0x4d: {  	_ =	shalt  }
0x4e: {  	_ =	shalt  }
0x4f: {  	_ =	shalt  }
0x50: {  	_ =	shalt  }
0x51: {  	_ =	shalt  }
0x52: {  	_ =	shalt  }
0x53: {  	_ =	shalt  }
0x54: {  	_ =	shalt  }
0x55: {  	_ =	shalt  }
0x56: {  	_ =	shalt  }
0x57: {  	_ =	shalt  }
0x58: {  	_ =	shalt  }
0x59: {  	_ =	shalt  }
0x5a: {  	_ =	shalt  }
0x5b: {  	_ =	shalt  }
0x5c: {  	_ =	shalt  }
0x5d: {  	_ =	shalt  }
0x5e: {  	_ =	shalt  }
0x5f: {  	_ =	shalt  }
0x60: {  	_ =	shalt  }
0x61: {  	_ =	shalt  }
0x62: {  	_ =	shalt  }
0x63: {  	_ =	shalt  }
0x64: {  	_ =	shalt  }
0x65: {  	_ =	shalt  }
0x66: {  	_ =	shalt  }
0x67: {  	_ =	shalt  }
0x68: {  	_ =	shalt  }
0x69: {  	_ =	shalt  }
0x6a: {  	_ =	shalt  }
0x6b: {  	_ =	shalt  }
0x6c: {  	_ =	shalt  }
0x6d: {  	_ =	shalt  }
0x6e: {  	_ =	shalt  }
0x6f: {  	_ =	shalt  }
0x70: {  	_ =	shalt  }
0x71: {  	_ =	shalt  }
0x72: {  	_ =	shalt  }
0x73: {  	_ =	shalt  }
0x74: {  	_ =	shalt  }
0x75: {  	_ =	shalt  }
0x76: {  	_ =	shalt  }
0x77: {  	_ =	shalt  }
0x78: {  	_ =	shalt  }
0x79: {  	_ =	shalt  }
0x7a: {  	_ =	shalt  }
0x7b: {  	_ =	shalt  }
0x7c: {  	_ =	shalt  }
0x7d: {  	_ =	shalt  }
0x7e: {  	_ =	shalt  }
0x7f: {  	_ =	shalt  }
0x80: {  	_ =	shalt  }
0x81: {  	_ =	shalt  }
0x82: {  	_ =	shalt  }
0x83: {  	_ =	shalt  }
0x84: {  	_ =	shalt  }
0x85: {  	_ =	shalt  }
0x86: {  	_ =	shalt  }
0x87: {  	_ =	shalt  }
.Lfunc_end0:
.L_simem_size_0:
called_computation_lowered:
.L_overlay_start_0:
0x88: {  	s2 =	sld [smem:$0x3FD9]  }
0x89: {  	s3 =	sld [smem:$0x3FFE];
	_ =	sdelay $0x1  }
0x8a: {  	s1 =	srdreg.scid  }
0x8b: {  	s0 =	sand.u32 $0x1, s1  }
0x8c: {  	s17 =	sshll.u32 s0, $0xA;
	s2 =	sadd.s32 s3, s2  }
0x8d: {  	s2 =	sadd.s32 s2, s17  }
0x8e: {  	[smem:$0x3FC5] =	sst s2  }
0x8f: {  	_ = 	snop  }
0x90: {  	s2 =	sld [smem:$0x3FC8]  }
0x91: {  	s18 =	sld [smem:$0x3FD0];
	(tm) =	ssettm $0x1  }
0x92: {  	s4 =	sld [smem:$0x3FFB];
	_ =	sdelay $0x3  }
0x93: {  	_ =	strace s4  }
0x94: {  	s4 =	sld [smem:$0x3FFC];
	_ =	sdelay $0x3  }
0x95: {  	_ =	strace s4  }
0x96: {  	s4 =	sld [smem:$0x3FFD];
	_ =	sdelay $0x3  }
0x97: {  	_ =	strace s4  }
0x98: {  	_ =	strace $0x8FFFFFFF  }
0x99: {  	s19 =	sld [smem:$0x3FDB];
	_ =	sdelay $0x1  }
0x9a: {  	s5 =	simm.s32 $_scs_section_size  }
0x9b: {  	s6 =	simm.s32 $_size__tile_overlayer_lowered;
	s7 =	simm.s32 $_tile_overlayer_lowered  }
0x9c: {  	s22 =	simm.s32 $0x1BFF;
	s21 =	sshll.u32 s7, $0x1;
	s4 =	sadd.s32 s5, s19  }
0x9d: {  	s8 =	simm.s32 $0x0;
	s20 =	sshll.u32 s6, $0x1;
	s6 =	sadd.s32 s21, s4  }
0x9e: {  	[timem:s8], [sflag:s22] =	dma.local [hbm:s6], s20  }
0x9f: {  	_ =	swait.ge [sflag:s22], s20  }
0xa0: {  	s5 =	ssub.s32 $0x0, s20;
	[sflag:s22] =	ssyncset.done $0x0  }
0xa1: {  	[sflag:s22] =	ssyncadd.s32 s5;
	_ =	sdelay $0x1  }
0xa2: {  	s23 =	simm.s32 $0x1B8B  }
0xa3: {  	_ =	swait.ge [sflag:s23], $0x1  }
0xa4: {  	[sflag:s23] =	ssyncset.done $0x0  }
0xa5: {  	s25 =	simm.s32 $0x1B8E;
	s24 =	sld [smem:$0x3FFE];
	[sflag:s23] =	ssyncadd.s32 $0xFFFFFFFF  }
0xa6: {  	s26 =	simm.s32 $execute0_lowered;
	[smem:$0x3FD2] =	sst s25  }
0xa7: {  	s6 =	sshll.u32 s26, $0x1;
	_ =	strace $0x80000046;
	[dreg:$0x1] =	wrdreg $0xFFFFFFFF  }
0xa8: {  	s28 =	simm.s32 $_size_execute0_lowered;
	s4 =	sadd.s32 s4, s6;
	[dreg:$0x0] =	wrdreg $0x0  }
0xa9: {  	s6 =	sshll.u32 s28, $0x1;
	[dreg:$0x2] =	wrdreg s4  }
0xaa: {  	[dreg:$0x3] =	wrdreg s6  }
0xab: {  	[dreg:$0x4] =	wrdreg $0xC0  }
0xac: {  	_ =	task [dreg:s8], $0x5FFFF  }
0xad: {  	[dreg:$0x1] =	wrdreg $0xFFFFFFFF  }
0xae: {  	[dreg:$0x0] =	wrdreg $0x60  }
0xaf: {  	[dreg:$0x2] =	wrdreg s24  }
0xb0: {  	[dreg:$0x3] =	wrdreg s2  }
0xb1: {  	[dreg:$0x4] =	wrdreg s18  }
0xb2: {  	[dreg:$0x5] =	wrdreg $0x4000  }
0xb3: {  	[dreg:$0x6] =	wrdreg $0x9  }
0xb4: {  	_ =	task.clear_ibuf [dreg:s8], $0x7FFFF;
	_ =	strace $0x90000046  }
0xb5: {  	s29 =	simm.s32 $0x9;
	_ =	strace $0x80000048  }
0xb6: {  	_ =	swait.ge [sflag:s29], $0x1  }
0xb7: {  	[sflag:s29] =	ssyncadd.s32 $0xFFFFFFFF  }
0xb8: {  	_ =	strace $0x90000048  }
0xb9: {  	_ =	sfence  }
0xba: {  	s30 =	sld [smem:$0x0];
	_ =	sdelay $0x2  }
0xbb: {  	s31 =	sshll.u32 s1, $0xD;
	s1 =	sshrl.u32 s1, $0x2  }
0xbc: {  	s3 =	sand.u32 $0x4000, s31;
	s1 =	sadd.s32 s1, s30  }
0xbd: {  	s0 =	sor.u32 s3, s0;
	s1 =	sshll.u32 s1, $0x11  }
0xbe: {  	s0 =	sor.u32 s1, s0  }
0xbf: {  	s0 =	sadd.s32 $0x8F2B, s0  }
0xc0: {  	[sflag:s0] =	ssyncadd.remote.s32 $0x1  }
0xc1: {  	_ =	sfence.sel $0xFFFF  }
0xc2: {  	[dreg:$0x0] =	wrdreg $0xFFFFFFFF;
	(pc) =	sbr.abs _section_cstart, $3  }
0xc3: {  	[dreg:$0x1] =	wrdreg $0xFFFFFFFF  }
0xc4: {  	_ =	task.clear_ibuf [dreg:s8], $0x2FFFF;
	_ =	strace $0x9FFFFFFF  }
0xc5: {  	(tm) =	ssettm $0x7FFFFFFF  }
tec
execute0_lowered:
.L_overlay_start_1:
0x0: {  	(tag) =	ssettag $0x1  }
0x1: {  	s0 =	rddreg [dreg:$0x0]  }
0x2: {  	s1 =	rddreg [dreg:$0x1]  }
0x3: {  	s4 =	rddreg [dreg:$0x2]  }
0x4: {  	s2 =	rddreg [dreg:$0x3];
	s5 =	srdreg.scid  }
0x5: {  	s3 =	simm.s32 $0x0;
	s6 =	stileid.u32;
	s11 =	simm.s32 $0x6E40  }
0x6: {  	s12 =	simm.s32 $0x100;
	s21 =	simm.s32 $0x180;
	s22 =	simm.s32 $0xA040  }
0x7: {  	s23 =	simm.s32 $0x280;
	s24 =	simm.s32 $0x10440;
	s25 =	simm.s32 $0x380  }
0x8: {  	s26 =	simm.s32 $0x16840;
	s28 =	simm.s32 $0xA;
	s29 =	simm.s32 $0x4  }
0x9: {  	s30 =	simm.s32 $0x8;
	s31 =	simm.s32 $0xB;
	[smem:$0x7FF] =	sst s3  }
0xa: {  	s5 =	sand.u32 $0x1, s5;
	_ =	strace $0x80000047;
	[dreg:$0x7] =	wrdreg s21  }
0xb: {  	s7 =	sshll.u32 s6, $0xD;
	s10 =	smul.u32 $0xC8000, s6;
	[dreg:$0x8] =	wrdreg s22  }
0xc: {  	p0 =	sne.s32 s6, $0x0;
	s8 =	sshll.u32 s5, $0xC;
	[dreg:$0x9] =	wrdreg s23  }
0xd: {  	s14 =	ssub.s32 $0x2, s5;
	s16 =	smul.u32 $0x64000, s5;
	[dreg:$0xa] =	wrdreg s24  }
0xe: {  	s21 =	simm.s32 $0x200;
	s22 =	simm.s32 $0x9;
	[dreg:$0xb] =	wrdreg s25  }
0xf: {  	s23 =	simm.s32 $0x3;
	s24 =	simm.s32 $0x7;
	[dreg:$0xc] =	wrdreg s26  }
0x10: {  	s25 =	simm.s32 $0x13640;
	s26 =	simm.s32 $0x300;
	s7 =	sor.u32 s8, s7  }
0x11: {  	s9 =	sshrl.u32 s14, $0x1;
	s4 =	sadd.s32 s10, s4;
	s10 =	simm.s32 $0xA40  }
0x12: {  	s7 =	sadd.s32 s7, s0;
	s0 =	sadd.s32 $0x400, s0;
	s15 =	ssub.s32 s14, s9  }
0x13: {  	s18 =	sadd.s32 s16, s4;
	[dreg:$0xd] =	wrdreg s0;
	s17 =	sadd.s32 $0x1220, s7  }
0x14: {  	s5 =	sadd.s32 $0x1200, s7;
	s0 =	smax.u32 s15, $0x1;
	[dreg:$0xe] =	wrdreg s17  }
0x15: {  	s19 =	sadd.s32 $0x1240, s7;
	s20 =	sadd.s32 $0x1280, s7;
	[dreg:$0xf] =	wrdreg s0  }
0x16: {  	s15 =	simm.s32 $0x64;
	s7 =	simm.s32 $0x0;
	[dreg:$0x5] =	wrdreg s19  }
0x17: {  	s0 =	sadd.s32 $0x2580, s18;
	[dreg:$0x6] =	wrdreg s20;
	s18 =	simm.s32 $0x2  }
0x18: {  	s19 =	simm.s32 $0x6;
	[dreg:$0x10] =	wrdreg s0;
	s0 =	sshrl.u32 @!p0 s2, $0x3  }
0x19: {  	s20 =	simm.s32 $0xD240;
	[dreg:$0x11] =	wrdreg s0;
	s0 =	simm.s32 $0xC  }
.LBB2_1:
0x1a: {  	[dreg:$0x12] =	wrdreg s7  }
0x1b: {  	s4 =	rddreg [dreg:$0xd]  }
0x1c: {  	s8 =	simm.s32 @!p0 $0x1C11;
	s6 =	rddreg [dreg:$0x11]  }
0x1d: {  	[spmem:s6], [sflag:s8] =	dma.local @!p0 [hbm:s4], $0xC80  }
0x1e: {  	s8 =	simm.s32 @!p0 $0x11  }
0x1f: {  	_ =	swait.ge @!p0 [sflag:s8], $0xC80  }
0x20: {  	[sflag:s8] =	ssyncset.done @!p0 $0x0  }
0x21: {  	[sflag:s8] =	ssyncadd.s32 @!p0 $0xFFFFF380  }
0x22: {  	[bflag:$0x0] =	sbarrier.arrive $0xFFFF  }
0x23: {  	[tilespmem:s10], [sflag:$0x5] =	stream.linear.gather [spmem:s2], $0x6400, $0x38;
	[tilespmem:$0x19A40] =	vst v63  }
0x24: {  	_ = 	snop  }
0x25: {  	[tilespmem:s3], [sflag:$0x1] =	stream.linear.gather [hbm4b:s5+s3], $0x100, $0x38;
	[tilespmem:$0x19A40] =	vst v63  }
0x26: {  	_ = 	snop  }
0x27: {  	[tilespmem:s11], [sflag:$0x6] =	stream.linear.gather [spmem:s2], $0x6400, $0x38;
	[tilespmem:$0x19A40] =	vst v63  }
0x28: {  	s6 =	simm.s32 $0x1;
	s17 =	rddreg [dreg:$0xe]  }
0x29: {  	[tilespmem:s12], [sflag:$0x2] =	stream.linear.gather [hbm4b:s17+s3], $0x100, $0x38;
	[tilespmem:$0x19A40] =	vst v63  }
0x2a: {  	_ =	swait.ge [sflag:s6], $0x100  }
0x2b: {  	[sflag:s6] =	ssyncset.done $0x0  }
0x2c: {  	s7 =	simm.s32 $0x5;
	[sflag:s6] =	ssyncadd.s32 $0xFFFFFF00  }
0x2d: {  	_ =	swait.ge [sflag:s7], $0x6400  }
0x2e: {  	[sflag:s7] =	ssyncset.done $0x0  }
0x2f: {  	[sflag:s7] =	ssyncadd.s32 $0xFFFF9C00  }
0x30: {  	[tilespmem:s10], [sflag:$0x9] =	stream.indirect.gather.add.f32 [hbm:s1], $0x80, s3, s15, $0xb8;
	[tilespmem:$0x19A40] =	vst v63  }
0x31: {  	s9 =	simm.s32 $0x3C40;
	s8 =	simm.s32 $0x80  }
0x32: {  	[tilespmem:s9], [sflag:$0x9] =	stream.indirect.gather.add.f32 [hbm:s1], $0x80, s8, s15, $0xb8;
	[tilespmem:$0x19A40] =	vst v63  }
0x33: {  	_ =	swait.ge [sflag:s18], $0x100  }
0x34: {  	[sflag:s18] =	ssyncset.done $0x0  }
0x35: {  	[sflag:s18] =	ssyncadd.s32 $0xFFFFFF00  }
0x36: {  	_ =	swait.ge [sflag:s19], $0x6400  }
0x37: {  	[sflag:s19] =	ssyncset.done $0x0  }
0x38: {  	p1 =	por $0x1, $0x1;
	s13 =	rddreg [dreg:$0x8];
	[sflag:s19] =	ssyncadd.s32 $0xFFFF9C00  }
0x39: {  	[tilespmem:s11], [sflag:$0xA] =	stream.indirect.gather.add.f32 [hbm:s1], $0x80, s12, s15, $0xb8;
	[tilespmem:$0x19A40] =	vst v63  }
0x3a: {  	s8 =	simm.s32 @!p1 $0xF;
	s9 =	rddreg [dreg:$0x7]  }
0x3b: {  	[tilespmem:s13], [sflag:$0xA] =	stream.indirect.gather.add.f32 [hbm:s1], $0x80, s9, s15, $0xb8;
	[tilespmem:$0x19A40] =	vst v63  }
0x3c: {  	_ =	swait.ge @!p1 [sflag:s8], $0x6400  }
0x3d: {  	[sflag:s8] =	ssyncset.done @!p1 $0x0  }
0x3e: {  	s14 =	rddreg [dreg:$0x5];
	[sflag:s8] =	ssyncadd.s32 @!p1 $0xFFFF9C00  }
0x3f: {  	[tilespmem:s20], [sflag:$0x7] =	stream.linear.gather [spmem:s2], $0x6400, $0x38;
	[tilespmem:$0x19A40] =	vst v63  }
0x40: {  	s16 =	sadd.s32 $0x0, s14  }
0x41: {  	[tilespmem:s21], [sflag:$0x3] =	stream.linear.gather [hbm4b:s16+s3], $0x100, $0x38;
	[tilespmem:$0x19A40] =	vst v63  }
0x42: {  	_ =	swait.ge [sflag:s22], $0x3200  }
0x43: {  	[sflag:s22] =	ssyncset.done $0x0  }
0x44: {  	[sflag:s22] =	ssyncadd.s32 $0xFFFFCE00  }
0x45: {  	_ =	swait.ge [sflag:s22], $0x3200  }
0x46: {  	[sflag:s22] =	ssyncset.done $0x0;
	s4 =	rddreg [dreg:$0x10]  }
0x47: {  	s17 =	sadd.s32 $0xFFFFDA80, s4;
	[sflag:s22] =	ssyncadd.s32 $0xFFFFCE00  }
0x48: {  	[hbm4b:s17+s3] =	stream.linear.scatter [tilespmem:s10], [sflag:$0xD], $0x6400, $0x38;
	[tilespmem:$0x19A40] =	vst v63  }
0x49: {  	_ =	swait.ge [sflag:s23], $0x100  }
0x4a: {  	[sflag:s23] =	ssyncset.done $0x0  }
0x4b: {  	[sflag:s23] =	ssyncadd.s32 $0xFFFFFF00  }
0x4c: {  	_ =	swait.ge [sflag:s24], $0x6400  }
0x4d: {  	[sflag:s24] =	ssyncset.done $0x0  }
0x4e: {  	s6 =	rddreg [dreg:$0xa];
	[sflag:s24] =	ssyncadd.s32 $0xFFFF9C00  }
0x4f: {  	[tilespmem:s20], [sflag:$0xB] =	stream.indirect.gather.add.f32 [hbm:s1], $0x80, s21, s15, $0xb8;
	[tilespmem:$0x19A40] =	vst v63  }
0x50: {  	s13 =	simm.s32 @!p1 $0x10;
	s7 =	rddreg [dreg:$0x9]  }
0x51: {  	[tilespmem:s6], [sflag:$0xB] =	stream.indirect.gather.add.f32 [hbm:s1], $0x80, s7, s15, $0xb8;
	[tilespmem:$0x19A40] =	vst v63  }
0x52: {  	_ =	swait.ge @!p1 [sflag:s13], $0x6400  }
0x53: {  	[sflag:s13] =	ssyncset.done @!p1 $0x0  }
0x54: {  	s9 =	sadd.s32 $0x0, s5;
	[sflag:s13] =	ssyncadd.s32 @!p1 $0xFFFF9C00  }
0x55: {  	[tilespmem:s25], [sflag:$0x8] =	stream.linear.gather [spmem:s2], $0x6400, $0x38;
	[tilespmem:$0x19A40] =	vst v63  }
0x56: {  	s8 =	sadd.s32 $0x60, s9  }
0x57: {  	[tilespmem:s26], [sflag:$0x4] =	stream.linear.gather [hbm4b:s8+s3], $0x100, $0x38;
	[tilespmem:$0x19A40] =	vst v63  }
0x58: {  	_ =	swait.ge [sflag:s28], $0x3200  }
0x59: {  	[sflag:s28] =	ssyncset.done $0x0  }
0x5a: {  	[sflag:s28] =	ssyncadd.s32 $0xFFFFCE00  }
0x5b: {  	_ =	swait.ge [sflag:s28], $0x3200  }
0x5c: {  	[sflag:s28] =	ssyncset.done $0x0  }
0x5d: {  	s13 =	sadd.s32 $0xFFFFE700, s4;
	[sflag:s28] =	ssyncadd.s32 $0xFFFFCE00  }
0x5e: {  	[hbm4b:s13+s3] =	stream.linear.scatter [tilespmem:s11], [sflag:$0xE], $0x6400, $0x38;
	[tilespmem:$0x19A40] =	vst v63  }
0x5f: {  	_ =	swait.ge [sflag:s29], $0x100  }
0x60: {  	[sflag:s29] =	ssyncset.done $0x0  }
0x61: {  	[sflag:s29] =	ssyncadd.s32 $0xFFFFFF00  }
0x62: {  	_ =	swait.ge [sflag:s30], $0x6400  }
0x63: {  	[sflag:s30] =	ssyncset.done $0x0  }
0x64: {  	p1 =	por $0x0, $0x0;
	s14 =	rddreg [dreg:$0xc];
	[sflag:s30] =	ssyncadd.s32 $0xFFFF9C00  }
0x65: {  	[tilespmem:s25], [sflag:$0xC] =	stream.indirect.gather.add.f32 [hbm:s1], $0x80, s26, s15, $0xb8;
	[tilespmem:$0x19A40] =	vst v63  }
0x66: {  	s13 =	simm.s32 @!p1 $0xD;
	s16 =	rddreg [dreg:$0xb]  }
0x67: {  	[tilespmem:s14], [sflag:$0xC] =	stream.indirect.gather.add.f32 [hbm:s1], $0x80, s16, s15, $0xb8;
	[tilespmem:$0x19A40] =	vst v63  }
0x68: {  	_ =	swait.ge @!p1 [sflag:s13], $0x6400  }
0x69: {  	[sflag:s13] =	ssyncset.done @!p1 $0x0  }
0x6a: {  	s9 =	simm.s32 @!p1 $0xA40;
	s8 =	rddreg [dreg:$0x6];
	[sflag:s13] =	ssyncadd.s32 @!p1 $0xFFFF9C00  }
0x6b: {  	[tilespmem:s9], [sflag:$0x5] =	stream.linear.gather @!p1 [spmem:s2], $0x6400, $0x38;
	[tilespmem:$0x19A40] =	vst v63  }
0x6c: {  	s13 =	simm.s32 @!p1 $0x0;
	s8 =	sadd.s32 @!p1 $0x0, s8  }
0x6d: {  	[tilespmem:s13], [sflag:$0x1] =	stream.linear.gather @!p1 [hbm4b:s8+s13], $0x100, $0x38;
	[tilespmem:$0x19A40] =	vst v63  }
0x6e: {  	_ =	swait.ge [sflag:s31], $0x3200  }
0x6f: {  	[sflag:s31] =	ssyncset.done $0x0  }
0x70: {  	[sflag:s31] =	ssyncadd.s32 $0xFFFFCE00  }
0x71: {  	_ =	swait.ge [sflag:s31], $0x3200  }
0x72: {  	[sflag:s31] =	ssyncset.done $0x0  }
0x73: {  	s17 =	sadd.s32 $0xFFFFF380, s4;
	s16 =	simm.s32 @!p1 $0x1;
	[sflag:s31] =	ssyncadd.s32 $0xFFFFCE00  }
0x74: {  	[hbm4b:s17+s3] =	stream.linear.scatter [tilespmem:s20], [sflag:$0xF], $0x6400, $0x38;
	[tilespmem:$0x19A40] =	vst v63  }
0x75: {  	_ =	swait.ge @!p1 [sflag:s16], $0x100  }
0x76: {  	[sflag:s16] =	ssyncset.done @!p1 $0x0  }
0x77: {  	s8 =	simm.s32 @!p1 $0x5;
	[sflag:s16] =	ssyncadd.s32 @!p1 $0xFFFFFF00  }
0x78: {  	_ =	swait.ge @!p1 [sflag:s8], $0x6400  }
0x79: {  	[sflag:s8] =	ssyncset.done @!p1 $0x0  }
0x7a: {  	s16 =	simm.s32 @!p1 $0x64;
	[sflag:s8] =	ssyncadd.s32 @!p1 $0xFFFF9C00  }
0x7b: {  	[tilespmem:s9], [sflag:$0x9] =	stream.indirect.gather.add.f32 @!p1 [hbm:s1], $0x80, s13, s16, $0xb8;
	[tilespmem:$0x19A40] =	vst v63  }
0x7c: {  	s8 =	simm.s32 @!p1 $0x80;
	s9 =	simm.s32 @!p1 $0x3C40  }
0x7d: {  	[tilespmem:s9], [sflag:$0x9] =	stream.indirect.gather.add.f32 @!p1 [hbm:s1], $0x80, s8, s16, $0xb8;
	[tilespmem:$0x19A40] =	vst v63  }
0x7e: {  	s8 =	simm.s32 @!p1 $0xE  }
0x7f: {  	_ =	swait.ge @!p1 [sflag:s8], $0x6400  }
0x80: {  	[sflag:s8] =	ssyncset.done @!p1 $0x0  }
0x81: {  	s9 =	sadd.s32 @!p1 $0x0, s5;
	[sflag:s8] =	ssyncadd.s32 @!p1 $0xFFFF9C00;
	s8 =	simm.s32 @!p1 $0x6E40  }
0x82: {  	[tilespmem:s8], [sflag:$0x6] =	stream.linear.gather @!p1 [spmem:s2], $0x6400, $0x38;
	[tilespmem:$0x19A40] =	vst v63  }
0x83: {  	s8 =	sadd.s32 @!p1 $0xA0, s9;
	s9 =	simm.s32 @!p1 $0x100  }
0x84: {  	[tilespmem:s9], [sflag:$0x2] =	stream.linear.gather @!p1 [hbm4b:s8+s13], $0x100, $0x38;
	[tilespmem:$0x19A40] =	vst v63  }
0x85: {  	_ =	swait.ge [sflag:s0], $0x3200  }
0x86: {  	[sflag:s0] =	ssyncset.done $0x0  }
0x87: {  	[sflag:s0] =	ssyncadd.s32 $0xFFFFCE00  }
0x88: {  	s9 =	simm.s32 $0x80;
	_ =	swait.ge [sflag:s0], $0x3200  }
0x89: {  	s8 =	smov.u32 s4;
	s13 =	smov.u32 s4;
	[sflag:s0] =	ssyncset.done $0x0  }
.LBB2_2:
0x8a: {  	[sflag:s0] =	ssyncadd.s32 $0xFFFFCE00  }
0x8b: {  	[hbm4b:s13+s3] =	stream.linear.scatter [tilespmem:s25], [sflag:$0x10], $0x6400, $0x38;
	[tilespmem:$0x19A40] =	vst v63  }
0x8c: {  	_ =	swait.ge [sflag:s18], $0x100  }
0x8d: {  	[sflag:s18] =	ssyncset.done $0x0  }
0x8e: {  	[sflag:s18] =	ssyncadd.s32 $0xFFFFFF00  }
0x8f: {  	_ =	swait.ge [sflag:s19], $0x6400  }
0x90: {  	[sflag:s19] =	ssyncset.done $0x0  }
0x91: {  	s16 =	smov.u32 s9;
	s17 =	rddreg [dreg:$0x8];
	[sflag:s19] =	ssyncadd.s32 $0xFFFF9C00  }
0x92: {  	[tilespmem:s11], [sflag:$0xA] =	stream.indirect.gather.add.f32 [hbm:s1], $0x80, s12, s15, $0xb8;
	[tilespmem:$0x19A40] =	vst v63  }
0x93: {  	p2 =	seq.s32 s16, $0x0;
	s4 =	rddreg [dreg:$0x7]  }
0x94: {  	[tilespmem:s17], [sflag:$0xA] =	stream.indirect.gather.add.f32 [hbm:s1], $0x80, s4, s15, $0xb8;
	[tilespmem:$0x19A40] =	vst v63  }
0x95: {  	s4 =	simm.s32 @!p2 $0xF  }
0x96: {  	_ =	swait.ge @!p2 [sflag:s4], $0x6400  }
0x97: {  	[sflag:s4] =	ssyncset.done @!p2 $0x0  }
0x98: {  	s6 =	rddreg [dreg:$0x5];
	[sflag:s4] =	ssyncadd.s32 @!p2 $0xFFFF9C00  }
0x99: {  	[tilespmem:s20], [sflag:$0x7] =	stream.linear.gather [spmem:s2], $0x6400, $0x38;
	[tilespmem:$0x19A40] =	vst v63  }
0x9a: {  	s7 =	sadd.s32 s16, s6  }
0x9b: {  	[tilespmem:s21], [sflag:$0x3] =	stream.linear.gather [hbm4b:s7+s3], $0x100, $0x38;
	[tilespmem:$0x19A40] =	vst v63  }
0x9c: {  	_ =	swait.ge [sflag:s22], $0x3200  }
0x9d: {  	[sflag:s22] =	ssyncset.done $0x0  }
0x9e: {  	[sflag:s22] =	ssyncadd.s32 $0xFFFFCE00  }
0x9f: {  	_ =	swait.ge [sflag:s22], $0x3200  }
0xa0: {  	s8 =	sadd.s32 $0x3200, s8;
	[sflag:s22] =	ssyncset.done $0x0  }
0xa1: {  	s14 =	sadd.s32 $0xFFFFDA80, s8;
	[sflag:s22] =	ssyncadd.s32 $0xFFFFCE00  }
0xa2: {  	[hbm4b:s14+s3] =	stream.linear.scatter [tilespmem:s10], [sflag:$0xD], $0x6400, $0x38;
	[tilespmem:$0x19A40] =	vst v63  }
0xa3: {  	_ =	swait.ge [sflag:s23], $0x100  }
0xa4: {  	[sflag:s23] =	ssyncset.done $0x0  }
0xa5: {  	[sflag:s23] =	ssyncadd.s32 $0xFFFFFF00  }
0xa6: {  	_ =	swait.ge [sflag:s24], $0x6400  }
0xa7: {  	[sflag:s24] =	ssyncset.done $0x0  }
0xa8: {  	s17 =	rddreg [dreg:$0xa];
	[sflag:s24] =	ssyncadd.s32 $0xFFFF9C00  }
0xa9: {  	[tilespmem:s20], [sflag:$0xB] =	stream.indirect.gather.add.f32 [hbm:s1], $0x80, s21, s15, $0xb8;
	[tilespmem:$0x19A40] =	vst v63  }
0xaa: {  	s6 =	simm.s32 @!p2 $0x10;
	s7 =	rddreg [dreg:$0x9]  }
0xab: {  	[tilespmem:s17], [sflag:$0xB] =	stream.indirect.gather.add.f32 [hbm:s1], $0x80, s7, s15, $0xb8;
	[tilespmem:$0x19A40] =	vst v63  }
0xac: {  	_ =	swait.ge @!p2 [sflag:s6], $0x6400  }
0xad: {  	[sflag:s6] =	ssyncset.done @!p2 $0x0  }
0xae: {  	s14 =	sadd.s32 s16, s5;
	[sflag:s6] =	ssyncadd.s32 @!p2 $0xFFFF9C00  }
0xaf: {  	[tilespmem:s25], [sflag:$0x8] =	stream.linear.gather [spmem:s2], $0x6400, $0x38;
	[tilespmem:$0x19A40] =	vst v63  }
0xb0: {  	s4 =	sadd.s32 $0x60, s14  }
0xb1: {  	[tilespmem:s26], [sflag:$0x4] =	stream.linear.gather [hbm4b:s4+s3], $0x100, $0x38;
	[tilespmem:$0x19A40] =	vst v63  }
0xb2: {  	_ =	swait.ge [sflag:s28], $0x3200  }
0xb3: {  	[sflag:s28] =	ssyncset.done $0x0  }
0xb4: {  	[sflag:s28] =	ssyncadd.s32 $0xFFFFCE00  }
0xb5: {  	_ =	swait.ge [sflag:s28], $0x3200  }
0xb6: {  	[sflag:s28] =	ssyncset.done $0x0  }
0xb7: {  	s17 =	sadd.s32 $0xFFFFE700, s8;
	[sflag:s28] =	ssyncadd.s32 $0xFFFFCE00  }
0xb8: {  	[hbm4b:s17+s3] =	stream.linear.scatter [tilespmem:s11], [sflag:$0xE], $0x6400, $0x38;
	[tilespmem:$0x19A40] =	vst v63  }
0xb9: {  	_ =	swait.ge [sflag:s29], $0x100  }
0xba: {  	[sflag:s29] =	ssyncset.done $0x0  }
0xbb: {  	[sflag:s29] =	ssyncadd.s32 $0xFFFFFF00  }
0xbc: {  	_ =	swait.ge [sflag:s30], $0x6400  }
0xbd: {  	[sflag:s30] =	ssyncset.done $0x0  }
0xbe: {  	p2 =	seq.s32 s16, $0xF80;
	s6 =	rddreg [dreg:$0xc];
	[sflag:s30] =	ssyncadd.s32 $0xFFFF9C00  }
0xbf: {  	[tilespmem:s25], [sflag:$0xC] =	stream.indirect.gather.add.f32 [hbm:s1], $0x80, s26, s15, $0xb8;
	[tilespmem:$0x19A40] =	vst v63  }
0xc0: {  	s14 =	simm.s32 @!p2 $0xD;
	s7 =	rddreg [dreg:$0xb]  }
0xc1: {  	[tilespmem:s6], [sflag:$0xC] =	stream.indirect.gather.add.f32 [hbm:s1], $0x80, s7, s15, $0xb8;
	[tilespmem:$0x19A40] =	vst v63  }
0xc2: {  	_ =	swait.ge @!p2 [sflag:s14], $0x6400  }
0xc3: {  	[sflag:s14] =	ssyncset.done @!p2 $0x0  }
0xc4: {  	s4 =	simm.s32 @!p2 $0xA40;
	s6 =	rddreg [dreg:$0x6];
	[sflag:s14] =	ssyncadd.s32 @!p2 $0xFFFF9C00  }
0xc5: {  	[tilespmem:s4], [sflag:$0x5] =	stream.linear.gather @!p2 [spmem:s2], $0x6400, $0x38;
	[tilespmem:$0x19A40] =	vst v63  }
0xc6: {  	s14 =	simm.s32 @!p2 $0x0;
	s6 =	sadd.s32 @!p2 s16, s6  }
0xc7: {  	[tilespmem:s14], [sflag:$0x1] =	stream.linear.gather @!p2 [hbm4b:s6+s14], $0x100, $0x38;
	[tilespmem:$0x19A40] =	vst v63  }
0xc8: {  	_ =	swait.ge [sflag:s31], $0x3200  }
0xc9: {  	[sflag:s31] =	ssyncset.done $0x0  }
0xca: {  	[sflag:s31] =	ssyncadd.s32 $0xFFFFCE00  }
0xcb: {  	_ =	swait.ge [sflag:s31], $0x3200  }
0xcc: {  	s17 =	sadd.s32 @!p2 s16, s5;
	[sflag:s31] =	ssyncset.done $0x0  }
0xcd: {  	s7 =	sadd.s32 $0xFFFFF380, s8;
	s16 =	simm.s32 @!p2 $0x1;
	[sflag:s31] =	ssyncadd.s32 $0xFFFFCE00  }
0xce: {  	[hbm4b:s7+s3] =	stream.linear.scatter [tilespmem:s20], [sflag:$0xF], $0x6400, $0x38;
	[tilespmem:$0x19A40] =	vst v63  }
0xcf: {  	_ =	swait.ge @!p2 [sflag:s16], $0x100  }
0xd0: {  	[sflag:s16] =	ssyncset.done @!p2 $0x0  }
0xd1: {  	s6 =	simm.s32 @!p2 $0x5;
	[sflag:s16] =	ssyncadd.s32 @!p2 $0xFFFFFF00  }
0xd2: {  	_ =	swait.ge @!p2 [sflag:s6], $0x6400  }
0xd3: {  	[sflag:s6] =	ssyncset.done @!p2 $0x0  }
0xd4: {  	s16 =	simm.s32 @!p2 $0x64;
	[sflag:s6] =	ssyncadd.s32 @!p2 $0xFFFF9C00  }
0xd5: {  	[tilespmem:s4], [sflag:$0x9] =	stream.indirect.gather.add.f32 @!p2 [hbm:s1], $0x80, s14, s16, $0xb8;
	[tilespmem:$0x19A40] =	vst v63  }
0xd6: {  	s7 =	simm.s32 @!p2 $0x3C40;
	s6 =	simm.s32 @!p2 $0x80;
	s4 =	simm.s32 @!p2 $0xE  }
0xd7: {  	[tilespmem:s7], [sflag:$0x9] =	stream.indirect.gather.add.f32 @!p2 [hbm:s1], $0x80, s6, s16, $0xb8;
	[tilespmem:$0x19A40] =	vst v63  }
0xd8: {  	_ =	swait.ge @!p2 [sflag:s4], $0x6400  }
0xd9: {  	[sflag:s4] =	ssyncset.done @!p2 $0x0  }
0xda: {  	s9 =	sadd.s32 $0x80, s9;
	s6 =	simm.s32 @!p2 $0x6E40;
	[sflag:s4] =	ssyncadd.s32 @!p2 $0xFFFF9C00  }
0xdb: {  	[tilespmem:s6], [sflag:$0x6] =	stream.linear.gather @!p2 [spmem:s2], $0x6400, $0x38;
	[tilespmem:$0x19A40] =	vst v63  }
0xdc: {  	p1 =	sne.s32 s9, $0x1000;
	s17 =	sadd.s32 @!p2 $0xA0, s17;
	s4 =	simm.s32 @!p2 $0x100  }
0xdd: {  	[tilespmem:s4], [sflag:$0x2] =	stream.linear.gather @!p2 [hbm4b:s17+s14], $0x100, $0x38;
	[tilespmem:$0x19A40] =	vst v63  }
.Ltmp0:
0xde: {  	_ =	swait.ge [sflag:s0], $0x3200;
	(pc) =	sbr.rel @p1 .LBB2_2-.Ltmp0, $4  }
0xdf: {  	[sflag:s0] =	ssyncset.done $0x0  }
0xe0: {  	[sflag:s0] =	ssyncadd.s32 $0xFFFFCE00  }
0xe1: {  	_ =	swait.ge [sflag:s0], $0x3200  }
0xe2: {  	s13 =	smov.u32 s8;
	[sflag:s0] =	ssyncset.done $0x0  }
0xe3: {  	[sflag:s0] =	ssyncadd.s32 $0xFFFFCE00;
	s4 =	simm.s32 $0xD  }
0xe4: {  	[hbm4b:s13+s3] =	stream.linear.scatter [tilespmem:s25], [sflag:$0x10], $0x6400, $0x38;
	[tilespmem:$0x19A40] =	vst v63  }
0xe5: {  	_ =	swait.ge [sflag:s4], $0x6400  }
0xe6: {  	[sflag:s4] =	ssyncset.done $0x0  }
0xe7: {  	s14 =	simm.s32 $0xE;
	[sflag:s4] =	ssyncadd.s32 $0xFFFF9C00  }
0xe8: {  	_ =	swait.ge [sflag:s14], $0x6400  }
0xe9: {  	[sflag:s14] =	ssyncset.done $0x0  }
0xea: {  	s16 =	simm.s32 $0xF;
	[sflag:s14] =	ssyncadd.s32 $0xFFFF9C00  }
0xeb: {  	_ =	swait.ge [sflag:s16], $0x6400  }
0xec: {  	[sflag:s16] =	ssyncset.done $0x0  }
0xed: {  	s6 =	simm.s32 $0x10;
	[sflag:s16] =	ssyncadd.s32 $0xFFFF9C00  }
0xee: {  	_ =	swait.ge [sflag:s6], $0x6400  }
0xef: {  	s7 =	rddreg [dreg:$0x12]  }
0xf0: {  	s17 =	rddreg [dreg:$0xf];
	s7 =	sadd.s32 $0x1, s7  }
0xf1: {  	p1 =	sne.s32 s7, s17  }
.Ltmp1:
0xf2: {  	_ = 	snop;
	(pc) =	sbr.rel @p1 .LBB2_1-.Ltmp1, $3  }
0xf3: {  	_ =	sdelay $0x1  }
0xf4: {  	[sflag:s6] =	ssyncset.done $0x0  }
0xf5: {  	[sflag:s6] =	ssyncadd.s32 $0xFFFF9C00  }
0xf6: {  	_ =	sfence.sel $0x180000  }
0xf7: {  	[bflag:$0x0] =	sbarrier.arrive $0xFFFF  }
0xf8: {  	_ =	strace $0x90000047  }
0xf9: {  	[bflag:$0x2] =	sbarrier.arrive $0xFFFF  }
0xfa: {  	s0 =	rddreg [dreg:$0x4]  }
0xfb: {  	s0 =	sadd.s32 @!p0 $0x100000, s0  }
0xfc: {  	[sflag:s0] =	ssyncadd.tile.s32 @!p0 $0x1;
	_ =	shalt  }
.Lfunc_end2:
_tile_overlayer_lowered:
.L_overlay_start_2:
0xfd: {  	(tag) =	ssettag $0x2  }
0xfe: {  	s0 =	rddreg [dreg:$0x0];
	s2 =	stileid.u32  }
0xff: {  	s1 =	rddreg [dreg:$0x1];
	p0 =	sne.s32 s2, $0x0  }
0x100: {  	s3 =	rddreg [dreg:$0x2];
	[bflag:$0x3] =	sbarrier.arrive $0xFFFF;
	s2 =	simm.s32 @!p0 $0x1C11  }
0x101: {  	[timem:s3], [sflag:s2] =	dma.local @!p0 [hbm:s0], s1  }
0x102: {  	s0 =	simm.s32 @!p0 $0x11  }
0x103: {  	_ =	swait.ge @!p0 [sflag:s0], s1  }
0x104: {  	s1 =	ssub.s32 @!p0 $0x0, s1;
	[sflag:s0] =	ssyncset.done @!p0 $0x0  }
0x105: {  	[sflag:s0] =	ssyncadd.s32 @!p0 s1  }
0x106: {  	[bflag:$0x3] =	sbarrier.arrive $0xFFFF  }
0x107: {  	_ =	shalt  }

</sc_bundles>
